<compile_context>
chip_gen: v7x
topology: tpu7x:2x2x1
jax: 0.10.2.dev20260603
libtpu: 0.0.44.dev20260713+nightly
codegen_flags: <defaults>
</compile_context>

<pallas_src>
import functools

import jax
import jax.numpy as jnp
from jax import lax
from jax.experimental import pallas as pl
from jax.experimental.pallas import tpu as pltpu
from jax.experimental.pallas import tpu_sc as plsc

B, N, K = 64, 8192, 163
L = 16
NW = 32
RPW = B // NW
CH = N // L
UN = 8

_C = (1.47206501e-06, 9.99847697e-01, -4.97373216e-01, 3.15747317e-01,
      -1.90354337e-01, 8.26912371e-02, -1.74140775e-02)

_DN = lax.GatherDimensionNumbers(offset_dims=(), collapsed_slice_dims=(0,),
                                 start_index_map=(0,))


def _log1p_poly(z):
    r = jnp.full((L,), _C[6], jnp.float32)
    for c in (_C[5], _C[4], _C[3], _C[2], _C[1], _C[0]):
        r = r * z + jnp.float32(c)
    return r


def _xsum(v, iota):
    for sft in (8, 4, 2, 1):
        idx = iota ^ sft
        v = v + lax.gather(v, idx[:, None], _DN, slice_sizes=(1,),
                           mode=lax.GatherScatterMode.PROMISE_IN_BOUNDS)
    return v


def _xmax(v, iota):
    for sft in (8, 4, 2, 1):
        idx = iota ^ sft
        v = jnp.maximum(v, lax.gather(v, idx[:, None], _DN, slice_sizes=(1,),
                                      mode=lax.GatherScatterMode.PROMISE_IN_BOUNDS))
    return v


def _sc_body(pred_hbm, true_hbm, out_hbm, xbuf, ybuf, lbuf, obuf,
             sx0, sy0, sx1, sy1):
    w = lax.axis_index("s") * 2 + lax.axis_index("c")
    r0 = w * RPW
    cps = []
    for r, (sx, sy) in enumerate(((sx0, sy0), (sx1, sy1))):
        cps.append((
            pltpu.async_copy(pred_hbm.at[pl.ds(r0 + r, 1)],
                             xbuf.at[pl.ds(r, 1)], sx),
            pltpu.async_copy(true_hbm.at[pl.ds(r0 + r, 1)],
                             ybuf.at[pl.ds(r, 1)], sy),
        ))

    iota = lax.iota(jnp.int32, L)
    onev = jnp.full((L,), jnp.int32(1))
    zerov = jnp.full((L,), jnp.int32(0))
    fzero = jnp.full((L,), jnp.float32(0.0))

    maxes = []
    for r in range(RPW):
        for h in cps[r]:
            h.wait()

        def loss_chunk(i, mx, r=r):
            for u in range(2):
                off = (2 * i + u) * L
                x = xbuf.at[r][pl.ds(off, L)]
                y = ybuf.at[r][pl.ds(off, L)]
                z = jnp.exp(-jnp.abs(x))
                lo = jnp.maximum(x, jnp.float32(0.0)) - x * y + _log1p_poly(z)
                lbuf.at[r][pl.ds(off, L)] = lo
                mx = jnp.maximum(mx, lo)
            return mx

        maxes.append(lax.fori_loop(0, CH // 2, loss_chunk, fzero))

    ovec = fzero
    for r in range(RPW):
        lr = lbuf.at[r]
        max_bits = lax.bitcast_convert_type(_xmax(maxes[r], iota)[0], jnp.int32)

        def bit_step(bi, lohi):
            lo, hi = lohi
            mid = lo + ((hi - lo) >> 1)
            midf = jnp.full((L,), lax.bitcast_convert_type(mid, jnp.float32))

            def cnt_chunk(i, acc):
                base = i * (L * UN)
                for u in range(UN):
                    v = lr[pl.ds(base + u * L, L)]
                    acc = acc + jnp.where(v >= midf, onev, zerov)
                return acc

            acc = lax.fori_loop(0, CH // UN, cnt_chunk, zerov)
            cnt = _xsum(acc, iota)[0]
            keep = cnt >= K
            return (jnp.where(keep, mid, lo), jnp.where(keep, hi, mid))

        lo_b, hi_b = lax.fori_loop(
            0, 15, bit_step, (jnp.int32(0), max_bits + 1))
        lof = jnp.full((L,), lax.bitcast_convert_type(lo_b, jnp.float32))
        hif = jnp.full((L,), lax.bitcast_convert_type(hi_b, jnp.float32))

        def sum_chunk(i, carry):
            sg, cg, se, ce = carry
            base = i * (L * UN)
            for u in range(UN):
                v = lr[pl.ds(base + u * L, L)]
                mge = v >= lof
                mgt = v >= hif
                sg = sg + jnp.where(mgt, v, fzero)
                cg = cg + jnp.where(mgt, onev, zerov)
                se = se + jnp.where(mge, v, fzero)
                ce = ce + jnp.where(mge, onev, zerov)
            return (sg, cg, se, ce)

        sg, cg, se, ce = lax.fori_loop(0, CH // UN, sum_chunk,
                                       (fzero, zerov, fzero, zerov))
        cnt_gt = _xsum(cg, iota)[0]
        cnt_eq = _xsum(ce, iota)[0] - cnt_gt
        sum_gt = _xsum(sg, iota)[0]
        sum_eq = _xsum(se, iota)[0] - sum_gt
        rest = (jnp.int32(K) - cnt_gt).astype(jnp.float32)
        ovec = ovec + jnp.where(iota == 4 * r, sum_gt, jnp.float32(0.0))
        ovec = ovec + jnp.where(iota == 4 * r + 1, rest, jnp.float32(0.0))
        ovec = ovec + jnp.where(iota == 4 * r + 2, sum_eq, jnp.float32(0.0))
        ovec = ovec + jnp.where(iota == 4 * r + 3,
                                cnt_eq.astype(jnp.float32), jnp.float32(0.0))

    obuf[...] = ovec
    pltpu.sync_copy(obuf, out_hbm.at[w])


_sc_kernel = functools.partial(
    pl.kernel,
    out_type=jax.ShapeDtypeStruct((NW, L), jnp.float32),
    mesh=plsc.VectorSubcoreMesh(core_axis_name="c", subcore_axis_name="s"),
    scratch_types=[
        pltpu.VMEM((RPW, N), jnp.float32),
        pltpu.VMEM((RPW, N), jnp.float32),
        pltpu.VMEM((RPW, N), jnp.float32),
        pltpu.VMEM((L,), jnp.float32),
        pltpu.SemaphoreType.DMA,
        pltpu.SemaphoreType.DMA,
        pltpu.SemaphoreType.DMA,
        pltpu.SemaphoreType.DMA,
    ],
)(_sc_body)


def kernel(y_pred, y_true):
    part = _sc_kernel(y_pred, y_true)
    st = part.reshape(NW, 4, 4)[:, :RPW, :]
    sum_gt, rest, sum_eq, cnt_eq = (st[..., 0], st[..., 1],
                                    st[..., 2], st[..., 3])
    row_sum = sum_gt + rest * sum_eq / jnp.maximum(cnt_eq, 1.0)
    return jnp.sum(row_sum) / jnp.float32(B * K)

# --- scband reference (transcript-rebuilt; emitter-appended) ---
"""Pipeline reference for scband-hard-negative-wrapper-51427938402738 (READ-ONLY COPY).

The authoritative reference and input builder live on the scoring server;
editing this copy changes nothing except your own understanding.
"""

import jax, jax.numpy as jnp
import numpy as np

HARD_PCT = 0.02

def bce_with_logits(x, y):
    # elementwise BCEWithLogitsLoss(reduction='none'), numerically stable
    return jnp.maximum(x, 0.0) - x * y + jnp.log1p(jnp.exp(-jnp.abs(x)))

def setup_inputs(seed: int = 0) -> dict:
    key = jax.random.key(seed)
    k1, k2 = jax.random.split(key)
    y_pred = jax.random.normal(k1, (64, 8192), dtype=jnp.float32)
    y_true = jax.random.uniform(k2, (64, 8192), dtype=jnp.float32)
    return {"y_pred": y_pred, "y_true": y_true}

def reference(y_pred, y_true):
    raw_loss = bce_with_logits(y_pred, y_true)  # [B, N]
    k = int(HARD_PCT * raw_loss.shape[1])  # 163
    topk_vals, _ = jax.lax.top_k(raw_loss, k)  # per-row top-k over last dim
    hard_loss = topk_vals.mean()
    # .mean() on a scalar is a no-op, matching torch hard_loss.mean()
    return hard_loss

if __name__ == "__main__":
    import jax
    _d = setup_inputs()
    print(jax.jit(kernel)(*tuple(_d.values())))

</pallas_src>

<mosaic_0001>
#map = affine_map<(d0, d1) -> (0, 0)>
module attributes {stable_mosaic.version = 14 : i64} {
  func.func @_sc_body(%arg0: i32, %arg1: i32, %arg2: memref<64x8192xf32, #tpu.memory_space<hbm>>, %arg3: memref<64x8192xf32, #tpu.memory_space<hbm>>, %arg4: memref<32x16xf32, #tpu.memory_space<hbm>>, %arg5: memref<2x8192xf32, #tpu.memory_space<vmem>>, %arg6: memref<2x8192xf32, #tpu.memory_space<vmem>>, %arg7: memref<2x8192xf32, #tpu.memory_space<vmem>>, %arg8: memref<16xf32, #tpu.memory_space<vmem>>, %arg9: memref<!tpu.dma_semaphore, #tpu.memory_space<semaphore_mem>>, %arg10: memref<!tpu.dma_semaphore, #tpu.memory_space<semaphore_mem>>, %arg11: memref<!tpu.dma_semaphore, #tpu.memory_space<semaphore_mem>>, %arg12: memref<!tpu.dma_semaphore, #tpu.memory_space<semaphore_mem>>) attributes {dimension_semantics = [#tpu.dimension_semantics<core_parallel>, #tpu.dimension_semantics<subcore_parallel>], iteration_bounds = array<i64: 2, 16>, scalar_prefetch = 0 : i64, scratch_operands = 8 : i64, tpu.core_type = #tpu.core_type<sc_vector_subcore>, window_params = [{transform_indices = #map}, {transform_indices = #map}, {transform_indices = #map}]} {
    %mul3A = arith.constant 2 : i32
    %mul3A_0 = arith.muli %arg1, %mul3A : i32
    %add3A = arith.addi %mul3A_0, %arg0 : i32
    %mul3A_1 = arith.constant 2 : i32
    %mul3A_2 = arith.muli %add3A, %mul3A_1 : i32
    %add3A_3 = arith.constant 0 : i32
    %add3A_4 = arith.addi %mul3A_2, %add3A_3 : i32
    %dma_start3A = arith.constant 0 : i32
    %dma_start3A_5 = arith.constant 0 : i32
    %dma_start3A_6 = tpu.memref_slice %arg5[%dma_start3A, %dma_start3A_5] : memref<2x8192xf32, #tpu.memory_space<vmem>> -> memref<1x8192xf32, #tpu.memory_space<vmem>>
    %dma_start3A_7 = arith.constant 0 : i32
    %dma_start3A_8 = tpu.memref_slice %arg2[%add3A_4, %dma_start3A_7] : memref<64x8192xf32, #tpu.memory_space<hbm>> -> memref<1x8192xf32, #tpu.memory_space<hbm>>
    %dma_start3A_9 = arith.constant 0 : i32
    %dma_start3A_10 = arith.constant 0 : i32
    %dma_start3A_11 = tpu.memref_slice %arg5[%dma_start3A_9, %dma_start3A_10] : memref<2x8192xf32, #tpu.memory_space<vmem>> -> memref<1x8192xf32, #tpu.memory_space<vmem>>
    %dma_start3A_12 = arith.constant 0 : i32
    %dma_start3A_13 = tpu.memref_slice %arg2[%add3A_4, %dma_start3A_12] : memref<64x8192xf32, #tpu.memory_space<hbm>> -> memref<1x8192xf32, #tpu.memory_space<hbm>>
    tpu.enqueue_dma source(%dma_start3A_13 : memref<1x8192xf32, #tpu.memory_space<hbm>>) target(%dma_start3A_11 : memref<1x8192xf32, #tpu.memory_space<vmem>>) target_semaphore(%arg9 : memref<!tpu.dma_semaphore, #tpu.memory_space<semaphore_mem>>)
    %add3A_14 = arith.constant 0 : i32
    %add3A_15 = arith.addi %mul3A_2, %add3A_14 : i32
    %dma_start3A_16 = arith.constant 0 : i32
    %dma_start3A_17 = arith.constant 0 : i32
    %dma_start3A_18 = tpu.memref_slice %arg6[%dma_start3A_16, %dma_start3A_17] : memref<2x8192xf32, #tpu.memory_space<vmem>> -> memref<1x8192xf32, #tpu.memory_space<vmem>>
    %dma_start3A_19 = arith.constant 0 : i32
    %dma_start3A_20 = tpu.memref_slice %arg3[%add3A_15, %dma_start3A_19] : memref<64x8192xf32, #tpu.memory_space<hbm>> -> memref<1x8192xf32, #tpu.memory_space<hbm>>
    %dma_start3A_21 = arith.constant 0 : i32
    %dma_start3A_22 = arith.constant 0 : i32
    %dma_start3A_23 = tpu.memref_slice %arg6[%dma_start3A_21, %dma_start3A_22] : memref<2x8192xf32, #tpu.memory_space<vmem>> -> memref<1x8192xf32, #tpu.memory_space<vmem>>
    %dma_start3A_24 = arith.constant 0 : i32
    %dma_start3A_25 = tpu.memref_slice %arg3[%add3A_15, %dma_start3A_24] : memref<64x8192xf32, #tpu.memory_space<hbm>> -> memref<1x8192xf32, #tpu.memory_space<hbm>>
    tpu.enqueue_dma source(%dma_start3A_25 : memref<1x8192xf32, #tpu.memory_space<hbm>>) target(%dma_start3A_23 : memref<1x8192xf32, #tpu.memory_space<vmem>>) target_semaphore(%arg10 : memref<!tpu.dma_semaphore, #tpu.memory_space<semaphore_mem>>)
    %add3A_26 = arith.constant 1 : i32
    %add3A_27 = arith.addi %mul3A_2, %add3A_26 : i32
    %dma_start3A_28 = arith.constant 1 : i32
    %dma_start3A_29 = arith.constant 0 : i32
    %dma_start3A_30 = tpu.memref_slice %arg5[%dma_start3A_28, %dma_start3A_29] : memref<2x8192xf32, #tpu.memory_space<vmem>> -> memref<1x8192xf32, #tpu.memory_space<vmem>>
    %dma_start3A_31 = arith.constant 0 : i32
    %dma_start3A_32 = tpu.memref_slice %arg2[%add3A_27, %dma_start3A_31] : memref<64x8192xf32, #tpu.memory_space<hbm>> -> memref<1x8192xf32, #tpu.memory_space<hbm>>
    %dma_start3A_33 = arith.constant 1 : i32
    %dma_start3A_34 = arith.constant 0 : i32
    %dma_start3A_35 = tpu.memref_slice %arg5[%dma_start3A_33, %dma_start3A_34] : memref<2x8192xf32, #tpu.memory_space<vmem>> -> memref<1x8192xf32, #tpu.memory_space<vmem>>
    %dma_start3A_36 = arith.constant 0 : i32
    %dma_start3A_37 = tpu.memref_slice %arg2[%add3A_27, %dma_start3A_36] : memref<64x8192xf32, #tpu.memory_space<hbm>> -> memref<1x8192xf32, #tpu.memory_space<hbm>>
    tpu.enqueue_dma source(%dma_start3A_37 : memref<1x8192xf32, #tpu.memory_space<hbm>>) target(%dma_start3A_35 : memref<1x8192xf32, #tpu.memory_space<vmem>>) target_semaphore(%arg11 : memref<!tpu.dma_semaphore, #tpu.memory_space<semaphore_mem>>)
    %add3A_38 = arith.constant 1 : i32
    %add3A_39 = arith.addi %mul3A_2, %add3A_38 : i32
    %dma_start3A_40 = arith.constant 1 : i32
    %dma_start3A_41 = arith.constant 0 : i32
    %dma_start3A_42 = tpu.memref_slice %arg6[%dma_start3A_40, %dma_start3A_41] : memref<2x8192xf32, #tpu.memory_space<vmem>> -> memref<1x8192xf32, #tpu.memory_space<vmem>>
    %dma_start3A_43 = arith.constant 0 : i32
    %dma_start3A_44 = tpu.memref_slice %arg3[%add3A_39, %dma_start3A_43] : memref<64x8192xf32, #tpu.memory_space<hbm>> -> memref<1x8192xf32, #tpu.memory_space<hbm>>
    %dma_start3A_45 = arith.constant 1 : i32
    %dma_start3A_46 = arith.constant 0 : i32
    %dma_start3A_47 = tpu.memref_slice %arg6[%dma_start3A_45, %dma_start3A_46] : memref<2x8192xf32, #tpu.memory_space<vmem>> -> memref<1x8192xf32, #tpu.memory_space<vmem>>
    %dma_start3A_48 = arith.constant 0 : i32
    %dma_start3A_49 = tpu.memref_slice %arg3[%add3A_39, %dma_start3A_48] : memref<64x8192xf32, #tpu.memory_space<hbm>> -> memref<1x8192xf32, #tpu.memory_space<hbm>>
    tpu.enqueue_dma source(%dma_start3A_49 : memref<1x8192xf32, #tpu.memory_space<hbm>>) target(%dma_start3A_47 : memref<1x8192xf32, #tpu.memory_space<vmem>>) target_semaphore(%arg12 : memref<!tpu.dma_semaphore, #tpu.memory_space<semaphore_mem>>)
    %iota3A = tpu.iota {dimensions = array<i32: 0>} : vector<16xi32>
    %broadcast_in_dim3A = arith.constant 1 : i32
    %broadcast_in_dim3A_50 = vector.broadcast %broadcast_in_dim3A : i32 to vector<16xi32>
    %broadcast_in_dim3A_51 = arith.constant 0 : i32
    %broadcast_in_dim3A_52 = vector.broadcast %broadcast_in_dim3A_51 : i32 to vector<16xi32>
    %broadcast_in_dim3A_53 = arith.constant 0.000000e+00 : f32
    %broadcast_in_dim3A_54 = vector.broadcast %broadcast_in_dim3A_53 : f32 to vector<16xf32>
    %dma_wait3A = arith.constant 0 : i32
    %dma_wait3A_55 = arith.constant 0 : i32
    %dma_wait3A_56 = tpu.memref_slice %arg5[%dma_wait3A, %dma_wait3A_55] : memref<2x8192xf32, #tpu.memory_space<vmem>> -> memref<1x8192xf32, #tpu.memory_space<vmem>>
    %dma_wait3A_57 = arith.constant 0 : i32
    %dma_wait3A_58 = tpu.memref_slice %arg2[%add3A_4, %dma_wait3A_57] : memref<64x8192xf32, #tpu.memory_space<hbm>> -> memref<1x8192xf32, #tpu.memory_space<hbm>>
    %dma_wait3A_59 = arith.constant 0 : i32
    %dma_wait3A_60 = arith.constant 0 : i32
    %dma_wait3A_61 = tpu.memref_slice %arg5[%dma_wait3A_59, %dma_wait3A_60] : memref<2x8192xf32, #tpu.memory_space<vmem>> -> memref<1x8192xf32, #tpu.memory_space<vmem>>
    %dma_wait3A_62 = arith.constant 0 : i32
    %dma_wait3A_63 = tpu.memref_slice %arg2[%add3A_4, %dma_wait3A_62] : memref<64x8192xf32, #tpu.memory_space<hbm>> -> memref<1x8192xf32, #tpu.memory_space<hbm>>
    tpu.wait_dma2 semaphore(%arg9 : memref<!tpu.dma_semaphore, #tpu.memory_space<semaphore_mem>>) src(%dma_wait3A_63 : memref<1x8192xf32, #tpu.memory_space<hbm>>) dst(%dma_wait3A_61 : memref<1x8192xf32, #tpu.memory_space<vmem>>)
    %dma_wait3A_64 = arith.constant 0 : i32
    %dma_wait3A_65 = arith.constant 0 : i32
    %dma_wait3A_66 = tpu.memref_slice %arg6[%dma_wait3A_64, %dma_wait3A_65] : memref<2x8192xf32, #tpu.memory_space<vmem>> -> memref<1x8192xf32, #tpu.memory_space<vmem>>
    %dma_wait3A_67 = arith.constant 0 : i32
    %dma_wait3A_68 = tpu.memref_slice %arg3[%add3A_15, %dma_wait3A_67] : memref<64x8192xf32, #tpu.memory_space<hbm>> -> memref<1x8192xf32, #tpu.memory_space<hbm>>
    %dma_wait3A_69 = arith.constant 0 : i32
    %dma_wait3A_70 = arith.constant 0 : i32
    %dma_wait3A_71 = tpu.memref_slice %arg6[%dma_wait3A_69, %dma_wait3A_70] : memref<2x8192xf32, #tpu.memory_space<vmem>> -> memref<1x8192xf32, #tpu.memory_space<vmem>>
    %dma_wait3A_72 = arith.constant 0 : i32
    %dma_wait3A_73 = tpu.memref_slice %arg3[%add3A_15, %dma_wait3A_72] : memref<64x8192xf32, #tpu.memory_space<hbm>> -> memref<1x8192xf32, #tpu.memory_space<hbm>>
    tpu.wait_dma2 semaphore(%arg10 : memref<!tpu.dma_semaphore, #tpu.memory_space<semaphore_mem>>) src(%dma_wait3A_73 : memref<1x8192xf32, #tpu.memory_space<hbm>>) dst(%dma_wait3A_71 : memref<1x8192xf32, #tpu.memory_space<vmem>>)
    %scan3A = arith.constant 0 : i32
    %scan3A_74 = arith.constant 256 : i32
    %scan3A_75 = arith.addi %scan3A, %scan3A_74 : i32
    %scan3A_76 = arith.constant 1 : i32
    %scan3A_77 = scf.for %scan3A_517 = %scan3A to %scan3A_75 step %scan3A_76 iter_args(%scan3A_518 = %broadcast_in_dim3A_54) -> (vector<16xf32>)  : i32 {
      %mul3A_519 = arith.constant 2 : i32
      %mul3A_520 = arith.muli %mul3A_519, %scan3A_517 : i32
      %add3A_521 = arith.constant 0 : i32
      %add3A_522 = arith.addi %mul3A_520, %add3A_521 : i32
      %mul3A_523 = arith.constant 16 : i32
      %mul3A_524 = arith.muli %add3A_522, %mul3A_523 : i32
      %get3A = arith.constant 0 : i32
      %get3A_525 = arith.constant 0 : i32
      %get3A_526 = tpu.memref_slice %arg5[%get3A, %get3A_525] : memref<2x8192xf32, #tpu.memory_space<vmem>> -> memref<1x8192xf32, #tpu.memory_space<vmem>>
      %get3A_527 = tpu.memref_squeeze %get3A_526 : memref<1x8192xf32, #tpu.memory_space<vmem>> -> memref<8192xf32, #tpu.memory_space<vmem>>
      %get3A_528 = arith.index_cast %mul3A_524 : i32 to index
      %get3A_529 = tpu.vector_load %get3A_527[%get3A_528] {strides = array<i32>} : memref<8192xf32, #tpu.memory_space<vmem>>, vector<16xf32>,
      %get3A_530 = vector.shape_cast %get3A_529 : vector<16xf32> to vector<16xf32>
      %get3A_531 = arith.constant 0 : i32
      %get3A_532 = arith.constant 0 : i32
      %get3A_533 = tpu.memref_slice %arg6[%get3A_531, %get3A_532] : memref<2x8192xf32, #tpu.memory_space<vmem>> -> memref<1x8192xf32, #tpu.memory_space<vmem>>
      %get3A_534 = tpu.memref_squeeze %get3A_533 : memref<1x8192xf32, #tpu.memory_space<vmem>> -> memref<8192xf32, #tpu.memory_space<vmem>>
      %get3A_535 = arith.index_cast %mul3A_524 : i32 to index
      %get3A_536 = tpu.vector_load %get3A_534[%get3A_535] {strides = array<i32>} : memref<8192xf32, #tpu.memory_space<vmem>>, vector<16xf32>,
      %get3A_537 = vector.shape_cast %get3A_536 : vector<16xf32> to vector<16xf32>
      %abs3A = math.absf %get3A_530 : vector<16xf32>
      %neg3A = arith.constant 0.000000e+00 : f32
      %neg3A_538 = vector.broadcast %neg3A : f32 to vector<16xf32>
      %neg3A_539 = arith.subf %neg3A_538, %abs3A : vector<16xf32>
      %exp3A = math.exp %neg3A_539 : vector<16xf32>
      %max3A_540 = arith.constant 0.000000e+00 : f32
      %max3A_541 = vector.broadcast %max3A_540 : f32 to vector<16xf32>
      %max3A_542 = arith.maximumf %get3A_530, %max3A_541 : vector<16xf32>
      %mul3A_543 = arith.mulf %get3A_530, %get3A_537 : vector<16xf32>
      %sub3A_544 = arith.subf %max3A_542, %mul3A_543 : vector<16xf32>
      %broadcast_in_dim3A_545 = arith.constant -0.0174140781 : f32
      %broadcast_in_dim3A_546 = vector.broadcast %broadcast_in_dim3A_545 : f32 to vector<16xf32>
      %mul3A_547 = arith.mulf %broadcast_in_dim3A_546, %exp3A : vector<16xf32>
      %add3A_548 = arith.constant 0.0826912373 : f32
      %add3A_549 = vector.broadcast %add3A_548 : f32 to vector<16xf32>
      %add3A_550 = arith.addf %mul3A_547, %add3A_549 : vector<16xf32>
      %mul3A_551 = arith.mulf %add3A_550, %exp3A : vector<16xf32>
      %add3A_552 = arith.constant -0.190354332 : f32
      %add3A_553 = vector.broadcast %add3A_552 : f32 to vector<16xf32>
      %add3A_554 = arith.addf %mul3A_551, %add3A_553 : vector<16xf32>
      %mul3A_555 = arith.mulf %add3A_554, %exp3A : vector<16xf32>
      %add3A_556 = arith.constant 0.315747321 : f32
      %add3A_557 = vector.broadcast %add3A_556 : f32 to vector<16xf32>
      %add3A_558 = arith.addf %mul3A_555, %add3A_557 : vector<16xf32>
      %mul3A_559 = arith.mulf %add3A_558, %exp3A : vector<16xf32>
      %add3A_560 = arith.constant -0.497373223 : f32
      %add3A_561 = vector.broadcast %add3A_560 : f32 to vector<16xf32>
      %add3A_562 = arith.addf %mul3A_559, %add3A_561 : vector<16xf32>
      %mul3A_563 = arith.mulf %add3A_562, %exp3A : vector<16xf32>
      %add3A_564 = arith.constant 0.99984771 : f32
      %add3A_565 = vector.broadcast %add3A_564 : f32 to vector<16xf32>
      %add3A_566 = arith.addf %mul3A_563, %add3A_565 : vector<16xf32>
      %mul3A_567 = arith.mulf %add3A_566, %exp3A : vector<16xf32>
      %add3A_568 = arith.constant 1.47206504E-6 : f32
      %add3A_569 = vector.broadcast %add3A_568 : f32 to vector<16xf32>
      %add3A_570 = arith.addf %mul3A_567, %add3A_569 : vector<16xf32>
      %add3A_571 = arith.addf %sub3A_544, %add3A_570 : vector<16xf32>
      %swap3A_572 = arith.constant 0 : i32
      %swap3A_573 = arith.constant 0 : i32
      %swap3A_574 = tpu.memref_slice %arg7[%swap3A_572, %swap3A_573] : memref<2x8192xf32, #tpu.memory_space<vmem>> -> memref<1x8192xf32, #tpu.memory_space<vmem>>
      %swap3A_575 = tpu.memref_squeeze %swap3A_574 : memref<1x8192xf32, #tpu.memory_space<vmem>> -> memref<8192xf32, #tpu.memory_space<vmem>>
      %swap3A_576 = arith.index_cast %mul3A_524 : i32 to index
      %swap3A_577 = tpu.vector_load %swap3A_575[%swap3A_576] {strides = array<i32>} : memref<8192xf32, #tpu.memory_space<vmem>>, vector<16xf32>,
      %swap3A_578 = vector.shape_cast %swap3A_577 : vector<16xf32> to vector<16xf32>
      %swap3A_579 = vector.shape_cast %add3A_571 : vector<16xf32> to vector<16xf32>
      tpu.vector_store %swap3A_575[%swap3A_576], %swap3A_579 {strides = array<i32>} : memref<8192xf32, #tpu.memory_space<vmem>>, vector<16xf32>,
      %max3A_580 = arith.maximumf %scan3A_518, %add3A_571 : vector<16xf32>
      %mul3A_581 = arith.constant 2 : i32
      %mul3A_582 = arith.muli %mul3A_581, %scan3A_517 : i32
      %add3A_583 = arith.constant 1 : i32
      %add3A_584 = arith.addi %mul3A_582, %add3A_583 : i32
      %mul3A_585 = arith.constant 16 : i32
      %mul3A_586 = arith.muli %add3A_584, %mul3A_585 : i32
      %get3A_587 = arith.constant 0 : i32
      %get3A_588 = arith.constant 0 : i32
      %get3A_589 = tpu.memref_slice %arg5[%get3A_587, %get3A_588] : memref<2x8192xf32, #tpu.memory_space<vmem>> -> memref<1x8192xf32, #tpu.memory_space<vmem>>
      %get3A_590 = tpu.memref_squeeze %get3A_589 : memref<1x8192xf32, #tpu.memory_space<vmem>> -> memref<8192xf32, #tpu.memory_space<vmem>>
      %get3A_591 = arith.index_cast %mul3A_586 : i32 to index
      %get3A_592 = tpu.vector_load %get3A_590[%get3A_591] {strides = array<i32>} : memref<8192xf32, #tpu.memory_space<vmem>>, vector<16xf32>,
      %get3A_593 = vector.shape_cast %get3A_592 : vector<16xf32> to vector<16xf32>
      %get3A_594 = arith.constant 0 : i32
      %get3A_595 = arith.constant 0 : i32
      %get3A_596 = tpu.memref_slice %arg6[%get3A_594, %get3A_595] : memref<2x8192xf32, #tpu.memory_space<vmem>> -> memref<1x8192xf32, #tpu.memory_space<vmem>>
      %get3A_597 = tpu.memref_squeeze %get3A_596 : memref<1x8192xf32, #tpu.memory_space<vmem>> -> memref<8192xf32, #tpu.memory_space<vmem>>
      %get3A_598 = arith.index_cast %mul3A_586 : i32 to index
      %get3A_599 = tpu.vector_load %get3A_597[%get3A_598] {strides = array<i32>} : memref<8192xf32, #tpu.memory_space<vmem>>, vector<16xf32>,
      %get3A_600 = vector.shape_cast %get3A_599 : vector<16xf32> to vector<16xf32>
      %abs3A_601 = math.absf %get3A_593 : vector<16xf32>
      %neg3A_602 = arith.constant 0.000000e+00 : f32
      %neg3A_603 = vector.broadcast %neg3A_602 : f32 to vector<16xf32>
      %neg3A_604 = arith.subf %neg3A_603, %abs3A_601 : vector<16xf32>
      %exp3A_605 = math.exp %neg3A_604 : vector<16xf32>
      %max3A_606 = arith.constant 0.000000e+00 : f32
      %max3A_607 = vector.broadcast %max3A_606 : f32 to vector<16xf32>
      %max3A_608 = arith.maximumf %get3A_593, %max3A_607 : vector<16xf32>
      %mul3A_609 = arith.mulf %get3A_593, %get3A_600 : vector<16xf32>
      %sub3A_610 = arith.subf %max3A_608, %mul3A_609 : vector<16xf32>
      %broadcast_in_dim3A_611 = arith.constant -0.0174140781 : f32
      %broadcast_in_dim3A_612 = vector.broadcast %broadcast_in_dim3A_611 : f32 to vector<16xf32>
      %mul3A_613 = arith.mulf %broadcast_in_dim3A_612, %exp3A_605 : vector<16xf32>
      %add3A_614 = arith.constant 0.0826912373 : f32
      %add3A_615 = vector.broadcast %add3A_614 : f32 to vector<16xf32>
      %add3A_616 = arith.addf %mul3A_613, %add3A_615 : vector<16xf32>
      %mul3A_617 = arith.mulf %add3A_616, %exp3A_605 : vector<16xf32>
      %add3A_618 = arith.constant -0.190354332 : f32
      %add3A_619 = vector.broadcast %add3A_618 : f32 to vector<16xf32>
      %add3A_620 = arith.addf %mul3A_617, %add3A_619 : vector<16xf32>
      %mul3A_621 = arith.mulf %add3A_620, %exp3A_605 : vector<16xf32>
      %add3A_622 = arith.constant 0.315747321 : f32
      %add3A_623 = vector.broadcast %add3A_622 : f32 to vector<16xf32>
      %add3A_624 = arith.addf %mul3A_621, %add3A_623 : vector<16xf32>
      %mul3A_625 = arith.mulf %add3A_624, %exp3A_605 : vector<16xf32>
      %add3A_626 = arith.constant -0.497373223 : f32
      %add3A_627 = vector.broadcast %add3A_626 : f32 to vector<16xf32>
      %add3A_628 = arith.addf %mul3A_625, %add3A_627 : vector<16xf32>
      %mul3A_629 = arith.mulf %add3A_628, %exp3A_605 : vector<16xf32>
      %add3A_630 = arith.constant 0.99984771 : f32
      %add3A_631 = vector.broadcast %add3A_630 : f32 to vector<16xf32>
      %add3A_632 = arith.addf %mul3A_629, %add3A_631 : vector<16xf32>
      %mul3A_633 = arith.mulf %add3A_632, %exp3A_605 : vector<16xf32>
      %add3A_634 = arith.constant 1.47206504E-6 : f32
      %add3A_635 = vector.broadcast %add3A_634 : f32 to vector<16xf32>
      %add3A_636 = arith.addf %mul3A_633, %add3A_635 : vector<16xf32>
      %add3A_637 = arith.addf %sub3A_610, %add3A_636 : vector<16xf32>
      %swap3A_638 = arith.constant 0 : i32
      %swap3A_639 = arith.constant 0 : i32
      %swap3A_640 = tpu.memref_slice %arg7[%swap3A_638, %swap3A_639] : memref<2x8192xf32, #tpu.memory_space<vmem>> -> memref<1x8192xf32, #tpu.memory_space<vmem>>
      %swap3A_641 = tpu.memref_squeeze %swap3A_640 : memref<1x8192xf32, #tpu.memory_space<vmem>> -> memref<8192xf32, #tpu.memory_space<vmem>>
      %swap3A_642 = arith.index_cast %mul3A_586 : i32 to index
      %swap3A_643 = tpu.vector_load %swap3A_641[%swap3A_642] {strides = array<i32>} : memref<8192xf32, #tpu.memory_space<vmem>>, vector<16xf32>,
      %swap3A_644 = vector.shape_cast %swap3A_643 : vector<16xf32> to vector<16xf32>
      %swap3A_645 = vector.shape_cast %add3A_637 : vector<16xf32> to vector<16xf32>
      tpu.vector_store %swap3A_641[%swap3A_642], %swap3A_645 {strides = array<i32>} : memref<8192xf32, #tpu.memory_space<vmem>>, vector<16xf32>,
      %max3A_646 = arith.maximumf %max3A_580, %add3A_637 : vector<16xf32>
      scf.yield %max3A_646 : vector<16xf32>
    }
    %scan3A_78 = arith.constant 256 : i32
    %dma_wait3A_79 = arith.constant 1 : i32
    %dma_wait3A_80 = arith.constant 0 : i32
    %dma_wait3A_81 = tpu.memref_slice %arg5[%dma_wait3A_79, %dma_wait3A_80] : memref<2x8192xf32, #tpu.memory_space<vmem>> -> memref<1x8192xf32, #tpu.memory_space<vmem>>
    %dma_wait3A_82 = arith.constant 0 : i32
    %dma_wait3A_83 = tpu.memref_slice %arg2[%add3A_27, %dma_wait3A_82] : memref<64x8192xf32, #tpu.memory_space<hbm>> -> memref<1x8192xf32, #tpu.memory_space<hbm>>
    %dma_wait3A_84 = arith.constant 1 : i32
    %dma_wait3A_85 = arith.constant 0 : i32
    %dma_wait3A_86 = tpu.memref_slice %arg5[%dma_wait3A_84, %dma_wait3A_85] : memref<2x8192xf32, #tpu.memory_space<vmem>> -> memref<1x8192xf32, #tpu.memory_space<vmem>>
    %dma_wait3A_87 = arith.constant 0 : i32
    %dma_wait3A_88 = tpu.memref_slice %arg2[%add3A_27, %dma_wait3A_87] : memref<64x8192xf32, #tpu.memory_space<hbm>> -> memref<1x8192xf32, #tpu.memory_space<hbm>>
    tpu.wait_dma2 semaphore(%arg11 : memref<!tpu.dma_semaphore, #tpu.memory_space<semaphore_mem>>) src(%dma_wait3A_88 : memref<1x8192xf32, #tpu.memory_space<hbm>>) dst(%dma_wait3A_86 : memref<1x8192xf32, #tpu.memory_space<vmem>>)
    %dma_wait3A_89 = arith.constant 1 : i32
    %dma_wait3A_90 = arith.constant 0 : i32
    %dma_wait3A_91 = tpu.memref_slice %arg6[%dma_wait3A_89, %dma_wait3A_90] : memref<2x8192xf32, #tpu.memory_space<vmem>> -> memref<1x8192xf32, #tpu.memory_space<vmem>>
    %dma_wait3A_92 = arith.constant 0 : i32
    %dma_wait3A_93 = tpu.memref_slice %arg3[%add3A_39, %dma_wait3A_92] : memref<64x8192xf32, #tpu.memory_space<hbm>> -> memref<1x8192xf32, #tpu.memory_space<hbm>>
    %dma_wait3A_94 = arith.constant 1 : i32
    %dma_wait3A_95 = arith.constant 0 : i32
    %dma_wait3A_96 = tpu.memref_slice %arg6[%dma_wait3A_94, %dma_wait3A_95] : memref<2x8192xf32, #tpu.memory_space<vmem>> -> memref<1x8192xf32, #tpu.memory_space<vmem>>
    %dma_wait3A_97 = arith.constant 0 : i32
    %dma_wait3A_98 = tpu.memref_slice %arg3[%add3A_39, %dma_wait3A_97] : memref<64x8192xf32, #tpu.memory_space<hbm>> -> memref<1x8192xf32, #tpu.memory_space<hbm>>
    tpu.wait_dma2 semaphore(%arg12 : memref<!tpu.dma_semaphore, #tpu.memory_space<semaphore_mem>>) src(%dma_wait3A_98 : memref<1x8192xf32, #tpu.memory_space<hbm>>) dst(%dma_wait3A_96 : memref<1x8192xf32, #tpu.memory_space<vmem>>)
    %scan3A_99 = arith.constant 0 : i32
    %scan3A_100 = arith.constant 256 : i32
    %scan3A_101 = arith.addi %scan3A_99, %scan3A_100 : i32
    %scan3A_102 = arith.constant 1 : i32
    %scan3A_103 = scf.for %scan3A_517 = %scan3A_99 to %scan3A_101 step %scan3A_102 iter_args(%scan3A_518 = %broadcast_in_dim3A_54) -> (vector<16xf32>)  : i32 {
      %mul3A_519 = arith.constant 2 : i32
      %mul3A_520 = arith.muli %mul3A_519, %scan3A_517 : i32
      %add3A_521 = arith.constant 0 : i32
      %add3A_522 = arith.addi %mul3A_520, %add3A_521 : i32
      %mul3A_523 = arith.constant 16 : i32
      %mul3A_524 = arith.muli %add3A_522, %mul3A_523 : i32
      %get3A = arith.constant 1 : i32
      %get3A_525 = arith.constant 0 : i32
      %get3A_526 = tpu.memref_slice %arg5[%get3A, %get3A_525] : memref<2x8192xf32, #tpu.memory_space<vmem>> -> memref<1x8192xf32, #tpu.memory_space<vmem>>
      %get3A_527 = tpu.memref_squeeze %get3A_526 : memref<1x8192xf32, #tpu.memory_space<vmem>> -> memref<8192xf32, #tpu.memory_space<vmem>>
      %get3A_528 = arith.index_cast %mul3A_524 : i32 to index
      %get3A_529 = tpu.vector_load %get3A_527[%get3A_528] {strides = array<i32>} : memref<8192xf32, #tpu.memory_space<vmem>>, vector<16xf32>,
      %get3A_530 = vector.shape_cast %get3A_529 : vector<16xf32> to vector<16xf32>
      %get3A_531 = arith.constant 1 : i32
      %get3A_532 = arith.constant 0 : i32
      %get3A_533 = tpu.memref_slice %arg6[%get3A_531, %get3A_532] : memref<2x8192xf32, #tpu.memory_space<vmem>> -> memref<1x8192xf32, #tpu.memory_space<vmem>>
      %get3A_534 = tpu.memref_squeeze %get3A_533 : memref<1x8192xf32, #tpu.memory_space<vmem>> -> memref<8192xf32, #tpu.memory_space<vmem>>
      %get3A_535 = arith.index_cast %mul3A_524 : i32 to index
      %get3A_536 = tpu.vector_load %get3A_534[%get3A_535] {strides = array<i32>} : memref<8192xf32, #tpu.memory_space<vmem>>, vector<16xf32>,
      %get3A_537 = vector.shape_cast %get3A_536 : vector<16xf32> to vector<16xf32>
      %abs3A = math.absf %get3A_530 : vector<16xf32>
      %neg3A = arith.constant 0.000000e+00 : f32
      %neg3A_538 = vector.broadcast %neg3A : f32 to vector<16xf32>
      %neg3A_539 = arith.subf %neg3A_538, %abs3A : vector<16xf32>
      %exp3A = math.exp %neg3A_539 : vector<16xf32>
      %max3A_540 = arith.constant 0.000000e+00 : f32
      %max3A_541 = vector.broadcast %max3A_540 : f32 to vector<16xf32>
      %max3A_542 = arith.maximumf %get3A_530, %max3A_541 : vector<16xf32>
      %mul3A_543 = arith.mulf %get3A_530, %get3A_537 : vector<16xf32>
      %sub3A_544 = arith.subf %max3A_542, %mul3A_543 : vector<16xf32>
      %broadcast_in_dim3A_545 = arith.constant -0.0174140781 : f32
      %broadcast_in_dim3A_546 = vector.broadcast %broadcast_in_dim3A_545 : f32 to vector<16xf32>
      %mul3A_547 = arith.mulf %broadcast_in_dim3A_546, %exp3A : vector<16xf32>
      %add3A_548 = arith.constant 0.0826912373 : f32
      %add3A_549 = vector.broadcast %add3A_548 : f32 to vector<16xf32>
      %add3A_550 = arith.addf %mul3A_547, %add3A_549 : vector<16xf32>
      %mul3A_551 = arith.mulf %add3A_550, %exp3A : vector<16xf32>
      %add3A_552 = arith.constant -0.190354332 : f32
      %add3A_553 = vector.broadcast %add3A_552 : f32 to vector<16xf32>
      %add3A_554 = arith.addf %mul3A_551, %add3A_553 : vector<16xf32>
      %mul3A_555 = arith.mulf %add3A_554, %exp3A : vector<16xf32>
      %add3A_556 = arith.constant 0.315747321 : f32
      %add3A_557 = vector.broadcast %add3A_556 : f32 to vector<16xf32>
      %add3A_558 = arith.addf %mul3A_555, %add3A_557 : vector<16xf32>
      %mul3A_559 = arith.mulf %add3A_558, %exp3A : vector<16xf32>
      %add3A_560 = arith.constant -0.497373223 : f32
      %add3A_561 = vector.broadcast %add3A_560 : f32 to vector<16xf32>
      %add3A_562 = arith.addf %mul3A_559, %add3A_561 : vector<16xf32>
      %mul3A_563 = arith.mulf %add3A_562, %exp3A : vector<16xf32>
      %add3A_564 = arith.constant 0.99984771 : f32
      %add3A_565 = vector.broadcast %add3A_564 : f32 to vector<16xf32>
      %add3A_566 = arith.addf %mul3A_563, %add3A_565 : vector<16xf32>
      %mul3A_567 = arith.mulf %add3A_566, %exp3A : vector<16xf32>
      %add3A_568 = arith.constant 1.47206504E-6 : f32
      %add3A_569 = vector.broadcast %add3A_568 : f32 to vector<16xf32>
      %add3A_570 = arith.addf %mul3A_567, %add3A_569 : vector<16xf32>
      %add3A_571 = arith.addf %sub3A_544, %add3A_570 : vector<16xf32>
      %swap3A_572 = arith.constant 1 : i32
      %swap3A_573 = arith.constant 0 : i32
      %swap3A_574 = tpu.memref_slice %arg7[%swap3A_572, %swap3A_573] : memref<2x8192xf32, #tpu.memory_space<vmem>> -> memref<1x8192xf32, #tpu.memory_space<vmem>>
      %swap3A_575 = tpu.memref_squeeze %swap3A_574 : memref<1x8192xf32, #tpu.memory_space<vmem>> -> memref<8192xf32, #tpu.memory_space<vmem>>
      %swap3A_576 = arith.index_cast %mul3A_524 : i32 to index
      %swap3A_577 = tpu.vector_load %swap3A_575[%swap3A_576] {strides = array<i32>} : memref<8192xf32, #tpu.memory_space<vmem>>, vector<16xf32>,
      %swap3A_578 = vector.shape_cast %swap3A_577 : vector<16xf32> to vector<16xf32>
      %swap3A_579 = vector.shape_cast %add3A_571 : vector<16xf32> to vector<16xf32>
      tpu.vector_store %swap3A_575[%swap3A_576], %swap3A_579 {strides = array<i32>} : memref<8192xf32, #tpu.memory_space<vmem>>, vector<16xf32>,
      %max3A_580 = arith.maximumf %scan3A_518, %add3A_571 : vector<16xf32>
      %mul3A_581 = arith.constant 2 : i32
      %mul3A_582 = arith.muli %mul3A_581, %scan3A_517 : i32
      %add3A_583 = arith.constant 1 : i32
      %add3A_584 = arith.addi %mul3A_582, %add3A_583 : i32
      %mul3A_585 = arith.constant 16 : i32
      %mul3A_586 = arith.muli %add3A_584, %mul3A_585 : i32
      %get3A_587 = arith.constant 1 : i32
      %get3A_588 = arith.constant 0 : i32
      %get3A_589 = tpu.memref_slice %arg5[%get3A_587, %get3A_588] : memref<2x8192xf32, #tpu.memory_space<vmem>> -> memref<1x8192xf32, #tpu.memory_space<vmem>>
      %get3A_590 = tpu.memref_squeeze %get3A_589 : memref<1x8192xf32, #tpu.memory_space<vmem>> -> memref<8192xf32, #tpu.memory_space<vmem>>
      %get3A_591 = arith.index_cast %mul3A_586 : i32 to index
      %get3A_592 = tpu.vector_load %get3A_590[%get3A_591] {strides = array<i32>} : memref<8192xf32, #tpu.memory_space<vmem>>, vector<16xf32>,
      %get3A_593 = vector.shape_cast %get3A_592 : vector<16xf32> to vector<16xf32>
      %get3A_594 = arith.constant 1 : i32
      %get3A_595 = arith.constant 0 : i32
      %get3A_596 = tpu.memref_slice %arg6[%get3A_594, %get3A_595] : memref<2x8192xf32, #tpu.memory_space<vmem>> -> memref<1x8192xf32, #tpu.memory_space<vmem>>
      %get3A_597 = tpu.memref_squeeze %get3A_596 : memref<1x8192xf32, #tpu.memory_space<vmem>> -> memref<8192xf32, #tpu.memory_space<vmem>>
      %get3A_598 = arith.index_cast %mul3A_586 : i32 to index
      %get3A_599 = tpu.vector_load %get3A_597[%get3A_598] {strides = array<i32>} : memref<8192xf32, #tpu.memory_space<vmem>>, vector<16xf32>,
      %get3A_600 = vector.shape_cast %get3A_599 : vector<16xf32> to vector<16xf32>
      %abs3A_601 = math.absf %get3A_593 : vector<16xf32>
      %neg3A_602 = arith.constant 0.000000e+00 : f32
      %neg3A_603 = vector.broadcast %neg3A_602 : f32 to vector<16xf32>
      %neg3A_604 = arith.subf %neg3A_603, %abs3A_601 : vector<16xf32>
      %exp3A_605 = math.exp %neg3A_604 : vector<16xf32>
      %max3A_606 = arith.constant 0.000000e+00 : f32
      %max3A_607 = vector.broadcast %max3A_606 : f32 to vector<16xf32>
      %max3A_608 = arith.maximumf %get3A_593, %max3A_607 : vector<16xf32>
      %mul3A_609 = arith.mulf %get3A_593, %get3A_600 : vector<16xf32>
      %sub3A_610 = arith.subf %max3A_608, %mul3A_609 : vector<16xf32>
      %broadcast_in_dim3A_611 = arith.constant -0.0174140781 : f32
      %broadcast_in_dim3A_612 = vector.broadcast %broadcast_in_dim3A_611 : f32 to vector<16xf32>
      %mul3A_613 = arith.mulf %broadcast_in_dim3A_612, %exp3A_605 : vector<16xf32>
      %add3A_614 = arith.constant 0.0826912373 : f32
      %add3A_615 = vector.broadcast %add3A_614 : f32 to vector<16xf32>
      %add3A_616 = arith.addf %mul3A_613, %add3A_615 : vector<16xf32>
      %mul3A_617 = arith.mulf %add3A_616, %exp3A_605 : vector<16xf32>
      %add3A_618 = arith.constant -0.190354332 : f32
      %add3A_619 = vector.broadcast %add3A_618 : f32 to vector<16xf32>
      %add3A_620 = arith.addf %mul3A_617, %add3A_619 : vector<16xf32>
      %mul3A_621 = arith.mulf %add3A_620, %exp3A_605 : vector<16xf32>
      %add3A_622 = arith.constant 0.315747321 : f32
      %add3A_623 = vector.broadcast %add3A_622 : f32 to vector<16xf32>
      %add3A_624 = arith.addf %mul3A_621, %add3A_623 : vector<16xf32>
      %mul3A_625 = arith.mulf %add3A_624, %exp3A_605 : vector<16xf32>
      %add3A_626 = arith.constant -0.497373223 : f32
      %add3A_627 = vector.broadcast %add3A_626 : f32 to vector<16xf32>
      %add3A_628 = arith.addf %mul3A_625, %add3A_627 : vector<16xf32>
      %mul3A_629 = arith.mulf %add3A_628, %exp3A_605 : vector<16xf32>
      %add3A_630 = arith.constant 0.99984771 : f32
      %add3A_631 = vector.broadcast %add3A_630 : f32 to vector<16xf32>
      %add3A_632 = arith.addf %mul3A_629, %add3A_631 : vector<16xf32>
      %mul3A_633 = arith.mulf %add3A_632, %exp3A_605 : vector<16xf32>
      %add3A_634 = arith.constant 1.47206504E-6 : f32
      %add3A_635 = vector.broadcast %add3A_634 : f32 to vector<16xf32>
      %add3A_636 = arith.addf %mul3A_633, %add3A_635 : vector<16xf32>
      %add3A_637 = arith.addf %sub3A_610, %add3A_636 : vector<16xf32>
      %swap3A_638 = arith.constant 1 : i32
      %swap3A_639 = arith.constant 0 : i32
      %swap3A_640 = tpu.memref_slice %arg7[%swap3A_638, %swap3A_639] : memref<2x8192xf32, #tpu.memory_space<vmem>> -> memref<1x8192xf32, #tpu.memory_space<vmem>>
      %swap3A_641 = tpu.memref_squeeze %swap3A_640 : memref<1x8192xf32, #tpu.memory_space<vmem>> -> memref<8192xf32, #tpu.memory_space<vmem>>
      %swap3A_642 = arith.index_cast %mul3A_586 : i32 to index
      %swap3A_643 = tpu.vector_load %swap3A_641[%swap3A_642] {strides = array<i32>} : memref<8192xf32, #tpu.memory_space<vmem>>, vector<16xf32>,
      %swap3A_644 = vector.shape_cast %swap3A_643 : vector<16xf32> to vector<16xf32>
      %swap3A_645 = vector.shape_cast %add3A_637 : vector<16xf32> to vector<16xf32>
      tpu.vector_store %swap3A_641[%swap3A_642], %swap3A_645 {strides = array<i32>} : memref<8192xf32, #tpu.memory_space<vmem>>, vector<16xf32>,
      %max3A_646 = arith.maximumf %max3A_580, %add3A_637 : vector<16xf32>
      scf.yield %max3A_646 : vector<16xf32>
    }
    %scan3A_104 = arith.constant 256 : i32
    %xor3A = arith.constant 8 : i32
    %xor3A_105 = vector.broadcast %xor3A : i32 to vector<16xi32>
    %xor3A_106 = arith.xori %iota3A, %xor3A_105 : vector<16xi32>
    %broadcast_in_dim3A_107 = vector.shape_cast %xor3A_106 : vector<16xi32> to vector<16x1xi32>
    %gather3A = vector.shape_cast %broadcast_in_dim3A_107 : vector<16x1xi32> to vector<16xi32>
    %gather3A_108 = tpu.dynamic_gather %scan3A_77[%gather3A] in [0] : vector<16xf32>, vector<16xi32> -> vector<16xf32>
    %max3A = arith.maximumf %scan3A_77, %gather3A_108 : vector<16xf32>
    %xor3A_109 = arith.constant 4 : i32
    %xor3A_110 = vector.broadcast %xor3A_109 : i32 to vector<16xi32>
    %xor3A_111 = arith.xori %iota3A, %xor3A_110 : vector<16xi32>
    %broadcast_in_dim3A_112 = vector.shape_cast %xor3A_111 : vector<16xi32> to vector<16x1xi32>
    %gather3A_113 = vector.shape_cast %broadcast_in_dim3A_112 : vector<16x1xi32> to vector<16xi32>
    %gather3A_114 = tpu.dynamic_gather %max3A[%gather3A_113] in [0] : vector<16xf32>, vector<16xi32> -> vector<16xf32>
    %max3A_115 = arith.maximumf %max3A, %gather3A_114 : vector<16xf32>
    %xor3A_116 = arith.constant 2 : i32
    %xor3A_117 = vector.broadcast %xor3A_116 : i32 to vector<16xi32>
    %xor3A_118 = arith.xori %iota3A, %xor3A_117 : vector<16xi32>
    %broadcast_in_dim3A_119 = vector.shape_cast %xor3A_118 : vector<16xi32> to vector<16x1xi32>
    %gather3A_120 = vector.shape_cast %broadcast_in_dim3A_119 : vector<16x1xi32> to vector<16xi32>
    %gather3A_121 = tpu.dynamic_gather %max3A_115[%gather3A_120] in [0] : vector<16xf32>, vector<16xi32> -> vector<16xf32>
    %max3A_122 = arith.maximumf %max3A_115, %gather3A_121 : vector<16xf32>
    %xor3A_123 = arith.constant 1 : i32
    %xor3A_124 = vector.broadcast %xor3A_123 : i32 to vector<16xi32>
    %xor3A_125 = arith.xori %iota3A, %xor3A_124 : vector<16xi32>
    %broadcast_in_dim3A_126 = vector.shape_cast %xor3A_125 : vector<16xi32> to vector<16x1xi32>
    %gather3A_127 = vector.shape_cast %broadcast_in_dim3A_126 : vector<16x1xi32> to vector<16xi32>
    %gather3A_128 = tpu.dynamic_gather %max3A_122[%gather3A_127] in [0] : vector<16xf32>, vector<16xi32> -> vector<16xf32>
    %max3A_129 = arith.maximumf %max3A_122, %gather3A_128 : vector<16xf32>
    %slice3A = vector.extract_strided_slice %max3A_129 {offsets = [0], sizes = [1], strides = [1]} : vector<16xf32> to vector<1xf32>
    %squeeze3A = vector.extract %slice3A[0] : f32 from vector<1xf32>
    %bitcast_convert_type3A = arith.bitcast %squeeze3A : f32 to i32
    %add3A_130 = arith.constant 1 : i32
    %add3A_131 = arith.addi %bitcast_convert_type3A, %add3A_130 : i32
    %scan3A_132 = arith.constant 0 : i32
    %scan3A_133 = arith.constant 0 : i32
    %scan3A_134 = arith.constant 0 : i32
    %scan3A_135 = arith.constant 15 : i32
    %scan3A_136 = arith.addi %scan3A_134, %scan3A_135 : i32
    %scan3A_137 = arith.constant 1 : i32
    %scan3A_138:2 = scf.for %scan3A_517 = %scan3A_134 to %scan3A_136 step %scan3A_137 iter_args(%scan3A_518 = %scan3A_133, %scan3A_519 = %add3A_131) -> (i32, i32)  : i32 {
      %sub3A_520 = arith.subi %scan3A_519, %scan3A_518 : i32
      %shift_right_arithmetic3A = arith.constant 1 : i32
      %shift_right_arithmetic3A_521 = arith.shrsi %sub3A_520, %shift_right_arithmetic3A : i32
      %add3A_522 = arith.addi %scan3A_518, %shift_right_arithmetic3A_521 : i32
      %bitcast_convert_type3A_523 = arith.bitcast %add3A_522 : i32 to f32
      %broadcast_in_dim3A_524 = vector.broadcast %bitcast_convert_type3A_523 : f32 to vector<16xf32>
      %scan3A_525 = arith.constant 0 : i32
      %scan3A_526 = arith.constant 64 : i32
      %scan3A_527 = arith.addi %scan3A_525, %scan3A_526 : i32
      %scan3A_528 = arith.constant 1 : i32
      %scan3A_529 = scf.for %scan3A_564 = %scan3A_525 to %scan3A_527 step %scan3A_528 iter_args(%scan3A_565 = %broadcast_in_dim3A_52) -> (vector<16xi32>)  : i32 {
        %mul3A_566 = arith.constant 128 : i32
        %mul3A_567 = arith.muli %scan3A_564, %mul3A_566 : i32
        %add3A_568 = arith.constant 0 : i32
        %add3A_569 = arith.addi %mul3A_567, %add3A_568 : i32
        %get3A = arith.constant 0 : i32
        %get3A_570 = tpu.memref_slice %arg7[%scan3A_132, %get3A] : memref<2x8192xf32, #tpu.memory_space<vmem>> -> memref<1x8192xf32, #tpu.memory_space<vmem>>
        %get3A_571 = tpu.memref_squeeze %get3A_570 : memref<1x8192xf32, #tpu.memory_space<vmem>> -> memref<8192xf32, #tpu.memory_space<vmem>>
        %get3A_572 = arith.index_cast %add3A_569 : i32 to index
        %get3A_573 = tpu.vector_load %get3A_571[%get3A_572] {strides = array<i32>} : memref<8192xf32, #tpu.memory_space<vmem>>, vector<16xf32>,
        %get3A_574 = vector.shape_cast %get3A_573 : vector<16xf32> to vector<16xf32>
        %ge3A_575 = arith.cmpf oge, %get3A_574, %broadcast_in_dim3A_524 : vector<16xf32>
        %select_n3A_576 = arith.select %ge3A_575, %broadcast_in_dim3A_50, %broadcast_in_dim3A_52 : vector<16xi1>, vector<16xi32>
        %add3A_577 = arith.addi %scan3A_565, %select_n3A_576 : vector<16xi32>
        %add3A_578 = arith.constant 16 : i32
        %add3A_579 = arith.addi %mul3A_567, %add3A_578 : i32
        %get3A_580 = arith.constant 0 : i32
        %get3A_581 = tpu.memref_slice %arg7[%scan3A_132, %get3A_580] : memref<2x8192xf32, #tpu.memory_space<vmem>> -> memref<1x8192xf32, #tpu.memory_space<vmem>>
        %get3A_582 = tpu.memref_squeeze %get3A_581 : memref<1x8192xf32, #tpu.memory_space<vmem>> -> memref<8192xf32, #tpu.memory_space<vmem>>
        %get3A_583 = arith.index_cast %add3A_579 : i32 to index
        %get3A_584 = tpu.vector_load %get3A_582[%get3A_583] {strides = array<i32>} : memref<8192xf32, #tpu.memory_space<vmem>>, vector<16xf32>,
        %get3A_585 = vector.shape_cast %get3A_584 : vector<16xf32> to vector<16xf32>
        %ge3A_586 = arith.cmpf oge, %get3A_585, %broadcast_in_dim3A_524 : vector<16xf32>
        %select_n3A_587 = arith.select %ge3A_586, %broadcast_in_dim3A_50, %broadcast_in_dim3A_52 : vector<16xi1>, vector<16xi32>
        %add3A_588 = arith.addi %add3A_577, %select_n3A_587 : vector<16xi32>
        %add3A_589 = arith.constant 32 : i32
        %add3A_590 = arith.addi %mul3A_567, %add3A_589 : i32
        %get3A_591 = arith.constant 0 : i32
        %get3A_592 = tpu.memref_slice %arg7[%scan3A_132, %get3A_591] : memref<2x8192xf32, #tpu.memory_space<vmem>> -> memref<1x8192xf32, #tpu.memory_space<vmem>>
        %get3A_593 = tpu.memref_squeeze %get3A_592 : memref<1x8192xf32, #tpu.memory_space<vmem>> -> memref<8192xf32, #tpu.memory_space<vmem>>
        %get3A_594 = arith.index_cast %add3A_590 : i32 to index
        %get3A_595 = tpu.vector_load %get3A_593[%get3A_594] {strides = array<i32>} : memref<8192xf32, #tpu.memory_space<vmem>>, vector<16xf32>,
        %get3A_596 = vector.shape_cast %get3A_595 : vector<16xf32> to vector<16xf32>
        %ge3A_597 = arith.cmpf oge, %get3A_596, %broadcast_in_dim3A_524 : vector<16xf32>
        %select_n3A_598 = arith.select %ge3A_597, %broadcast_in_dim3A_50, %broadcast_in_dim3A_52 : vector<16xi1>, vector<16xi32>
        %add3A_599 = arith.addi %add3A_588, %select_n3A_598 : vector<16xi32>
        %add3A_600 = arith.constant 48 : i32
        %add3A_601 = arith.addi %mul3A_567, %add3A_600 : i32
        %get3A_602 = arith.constant 0 : i32
        %get3A_603 = tpu.memref_slice %arg7[%scan3A_132, %get3A_602] : memref<2x8192xf32, #tpu.memory_space<vmem>> -> memref<1x8192xf32, #tpu.memory_space<vmem>>
        %get3A_604 = tpu.memref_squeeze %get3A_603 : memref<1x8192xf32, #tpu.memory_space<vmem>> -> memref<8192xf32, #tpu.memory_space<vmem>>
        %get3A_605 = arith.index_cast %add3A_601 : i32 to index
        %get3A_606 = tpu.vector_load %get3A_604[%get3A_605] {strides = array<i32>} : memref<8192xf32, #tpu.memory_space<vmem>>, vector<16xf32>,
        %get3A_607 = vector.shape_cast %get3A_606 : vector<16xf32> to vector<16xf32>
        %ge3A_608 = arith.cmpf oge, %get3A_607, %broadcast_in_dim3A_524 : vector<16xf32>
        %select_n3A_609 = arith.select %ge3A_608, %broadcast_in_dim3A_50, %broadcast_in_dim3A_52 : vector<16xi1>, vector<16xi32>
        %add3A_610 = arith.addi %add3A_599, %select_n3A_609 : vector<16xi32>
        %add3A_611 = arith.constant 64 : i32
        %add3A_612 = arith.addi %mul3A_567, %add3A_611 : i32
        %get3A_613 = arith.constant 0 : i32
        %get3A_614 = tpu.memref_slice %arg7[%scan3A_132, %get3A_613] : memref<2x8192xf32, #tpu.memory_space<vmem>> -> memref<1x8192xf32, #tpu.memory_space<vmem>>
        %get3A_615 = tpu.memref_squeeze %get3A_614 : memref<1x8192xf32, #tpu.memory_space<vmem>> -> memref<8192xf32, #tpu.memory_space<vmem>>
        %get3A_616 = arith.index_cast %add3A_612 : i32 to index
        %get3A_617 = tpu.vector_load %get3A_615[%get3A_616] {strides = array<i32>} : memref<8192xf32, #tpu.memory_space<vmem>>, vector<16xf32>,
        %get3A_618 = vector.shape_cast %get3A_617 : vector<16xf32> to vector<16xf32>
        %ge3A_619 = arith.cmpf oge, %get3A_618, %broadcast_in_dim3A_524 : vector<16xf32>
        %select_n3A_620 = arith.select %ge3A_619, %broadcast_in_dim3A_50, %broadcast_in_dim3A_52 : vector<16xi1>, vector<16xi32>
        %add3A_621 = arith.addi %add3A_610, %select_n3A_620 : vector<16xi32>
        %add3A_622 = arith.constant 80 : i32
        %add3A_623 = arith.addi %mul3A_567, %add3A_622 : i32
        %get3A_624 = arith.constant 0 : i32
        %get3A_625 = tpu.memref_slice %arg7[%scan3A_132, %get3A_624] : memref<2x8192xf32, #tpu.memory_space<vmem>> -> memref<1x8192xf32, #tpu.memory_space<vmem>>
        %get3A_626 = tpu.memref_squeeze %get3A_625 : memref<1x8192xf32, #tpu.memory_space<vmem>> -> memref<8192xf32, #tpu.memory_space<vmem>>
        %get3A_627 = arith.index_cast %add3A_623 : i32 to index
        %get3A_628 = tpu.vector_load %get3A_626[%get3A_627] {strides = array<i32>} : memref<8192xf32, #tpu.memory_space<vmem>>, vector<16xf32>,
        %get3A_629 = vector.shape_cast %get3A_628 : vector<16xf32> to vector<16xf32>
        %ge3A_630 = arith.cmpf oge, %get3A_629, %broadcast_in_dim3A_524 : vector<16xf32>
        %select_n3A_631 = arith.select %ge3A_630, %broadcast_in_dim3A_50, %broadcast_in_dim3A_52 : vector<16xi1>, vector<16xi32>
        %add3A_632 = arith.addi %add3A_621, %select_n3A_631 : vector<16xi32>
        %add3A_633 = arith.constant 96 : i32
        %add3A_634 = arith.addi %mul3A_567, %add3A_633 : i32
        %get3A_635 = arith.constant 0 : i32
        %get3A_636 = tpu.memref_slice %arg7[%scan3A_132, %get3A_635] : memref<2x8192xf32, #tpu.memory_space<vmem>> -> memref<1x8192xf32, #tpu.memory_space<vmem>>
        %get3A_637 = tpu.memref_squeeze %get3A_636 : memref<1x8192xf32, #tpu.memory_space<vmem>> -> memref<8192xf32, #tpu.memory_space<vmem>>
        %get3A_638 = arith.index_cast %add3A_634 : i32 to index
        %get3A_639 = tpu.vector_load %get3A_637[%get3A_638] {strides = array<i32>} : memref<8192xf32, #tpu.memory_space<vmem>>, vector<16xf32>,
        %get3A_640 = vector.shape_cast %get3A_639 : vector<16xf32> to vector<16xf32>
        %ge3A_641 = arith.cmpf oge, %get3A_640, %broadcast_in_dim3A_524 : vector<16xf32>
        %select_n3A_642 = arith.select %ge3A_641, %broadcast_in_dim3A_50, %broadcast_in_dim3A_52 : vector<16xi1>, vector<16xi32>
        %add3A_643 = arith.addi %add3A_632, %select_n3A_642 : vector<16xi32>
        %add3A_644 = arith.constant 112 : i32
        %add3A_645 = arith.addi %mul3A_567, %add3A_644 : i32
        %get3A_646 = arith.constant 0 : i32
        %get3A_647 = tpu.memref_slice %arg7[%scan3A_132, %get3A_646] : memref<2x8192xf32, #tpu.memory_space<vmem>> -> memref<1x8192xf32, #tpu.memory_space<vmem>>
        %get3A_648 = tpu.memref_squeeze %get3A_647 : memref<1x8192xf32, #tpu.memory_space<vmem>> -> memref<8192xf32, #tpu.memory_space<vmem>>
        %get3A_649 = arith.index_cast %add3A_645 : i32 to index
        %get3A_650 = tpu.vector_load %get3A_648[%get3A_649] {strides = array<i32>} : memref<8192xf32, #tpu.memory_space<vmem>>, vector<16xf32>,
        %get3A_651 = vector.shape_cast %get3A_650 : vector<16xf32> to vector<16xf32>
        %ge3A_652 = arith.cmpf oge, %get3A_651, %broadcast_in_dim3A_524 : vector<16xf32>
        %select_n3A_653 = arith.select %ge3A_652, %broadcast_in_dim3A_50, %broadcast_in_dim3A_52 : vector<16xi1>, vector<16xi32>
        %add3A_654 = arith.addi %add3A_643, %select_n3A_653 : vector<16xi32>
        scf.yield %add3A_654 : vector<16xi32>
      }
      %scan3A_530 = arith.constant 64 : i32
      %xor3A_531 = arith.constant 8 : i32
      %xor3A_532 = vector.broadcast %xor3A_531 : i32 to vector<16xi32>
      %xor3A_533 = arith.xori %iota3A, %xor3A_532 : vector<16xi32>
      %broadcast_in_dim3A_534 = vector.shape_cast %xor3A_533 : vector<16xi32> to vector<16x1xi32>
      %gather3A_535 = vector.shape_cast %broadcast_in_dim3A_534 : vector<16x1xi32> to vector<16xi32>
      %gather3A_536 = tpu.dynamic_gather %scan3A_529[%gather3A_535] in [0] : vector<16xi32>, vector<16xi32> -> vector<16xi32>
      %add3A_537 = arith.addi %scan3A_529, %gather3A_536 : vector<16xi32>
      %xor3A_538 = arith.constant 4 : i32
      %xor3A_539 = vector.broadcast %xor3A_538 : i32 to vector<16xi32>
      %xor3A_540 = arith.xori %iota3A, %xor3A_539 : vector<16xi32>
      %broadcast_in_dim3A_541 = vector.shape_cast %xor3A_540 : vector<16xi32> to vector<16x1xi32>
      %gather3A_542 = vector.shape_cast %broadcast_in_dim3A_541 : vector<16x1xi32> to vector<16xi32>
      %gather3A_543 = tpu.dynamic_gather %add3A_537[%gather3A_542] in [0] : vector<16xi32>, vector<16xi32> -> vector<16xi32>
      %add3A_544 = arith.addi %add3A_537, %gather3A_543 : vector<16xi32>
      %xor3A_545 = arith.constant 2 : i32
      %xor3A_546 = vector.broadcast %xor3A_545 : i32 to vector<16xi32>
      %xor3A_547 = arith.xori %iota3A, %xor3A_546 : vector<16xi32>
      %broadcast_in_dim3A_548 = vector.shape_cast %xor3A_547 : vector<16xi32> to vector<16x1xi32>
      %gather3A_549 = vector.shape_cast %broadcast_in_dim3A_548 : vector<16x1xi32> to vector<16xi32>
      %gather3A_550 = tpu.dynamic_gather %add3A_544[%gather3A_549] in [0] : vector<16xi32>, vector<16xi32> -> vector<16xi32>
      %add3A_551 = arith.addi %add3A_544, %gather3A_550 : vector<16xi32>
      %xor3A_552 = arith.constant 1 : i32
      %xor3A_553 = vector.broadcast %xor3A_552 : i32 to vector<16xi32>
      %xor3A_554 = arith.xori %iota3A, %xor3A_553 : vector<16xi32>
      %broadcast_in_dim3A_555 = vector.shape_cast %xor3A_554 : vector<16xi32> to vector<16x1xi32>
      %gather3A_556 = vector.shape_cast %broadcast_in_dim3A_555 : vector<16x1xi32> to vector<16xi32>
      %gather3A_557 = tpu.dynamic_gather %add3A_551[%gather3A_556] in [0] : vector<16xi32>, vector<16xi32> -> vector<16xi32>
      %add3A_558 = arith.addi %add3A_551, %gather3A_557 : vector<16xi32>
      %slice3A_559 = vector.extract_strided_slice %add3A_558 {offsets = [0], sizes = [1], strides = [1]} : vector<16xi32> to vector<1xi32>
      %squeeze3A_560 = vector.extract %slice3A_559[0] : i32 from vector<1xi32>
      %ge3A = arith.constant 163 : i32
      %ge3A_561 = arith.cmpi sge, %squeeze3A_560, %ge3A : i32
      %select_n3A_562 = arith.select %ge3A_561, %add3A_522, %scan3A_518 : i32
      %select_n3A_563 = arith.select %ge3A_561, %scan3A_519, %add3A_522 : i32
      scf.yield %select_n3A_562, %select_n3A_563 : i32, i32
    }
    %scan3A_139 = arith.constant 15 : i32
    %bitcast_convert_type3A_140 = arith.bitcast %scan3A_138#0 : i32 to f32
    %broadcast_in_dim3A_141 = vector.broadcast %bitcast_convert_type3A_140 : f32 to vector<16xf32>
    %bitcast_convert_type3A_142 = arith.bitcast %scan3A_138#1 : i32 to f32
    %broadcast_in_dim3A_143 = vector.broadcast %bitcast_convert_type3A_142 : f32 to vector<16xf32>
    %scan3A_144 = arith.constant 0 : i32
    %scan3A_145 = arith.constant 0 : i32
    %scan3A_146 = arith.constant 64 : i32
    %scan3A_147 = arith.addi %scan3A_145, %scan3A_146 : i32
    %scan3A_148 = arith.constant 1 : i32
    %scan3A_149:4 = scf.for %scan3A_517 = %scan3A_145 to %scan3A_147 step %scan3A_148 iter_args(%scan3A_518 = %broadcast_in_dim3A_54, %scan3A_519 = %broadcast_in_dim3A_52, %scan3A_520 = %broadcast_in_dim3A_54, %scan3A_521 = %broadcast_in_dim3A_52) -> (vector<16xf32>, vector<16xi32>, vector<16xf32>, vector<16xi32>)  : i32 {
      %mul3A_522 = arith.constant 128 : i32
      %mul3A_523 = arith.muli %scan3A_517, %mul3A_522 : i32
      %add3A_524 = arith.constant 0 : i32
      %add3A_525 = arith.addi %mul3A_523, %add3A_524 : i32
      %get3A = arith.constant 0 : i32
      %get3A_526 = tpu.memref_slice %arg7[%scan3A_144, %get3A] : memref<2x8192xf32, #tpu.memory_space<vmem>> -> memref<1x8192xf32, #tpu.memory_space<vmem>>
      %get3A_527 = tpu.memref_squeeze %get3A_526 : memref<1x8192xf32, #tpu.memory_space<vmem>> -> memref<8192xf32, #tpu.memory_space<vmem>>
      %get3A_528 = arith.index_cast %add3A_525 : i32 to index
      %get3A_529 = tpu.vector_load %get3A_527[%get3A_528] {strides = array<i32>} : memref<8192xf32, #tpu.memory_space<vmem>>, vector<16xf32>,
      %get3A_530 = vector.shape_cast %get3A_529 : vector<16xf32> to vector<16xf32>
      %ge3A = arith.cmpf oge, %get3A_530, %broadcast_in_dim3A_141 : vector<16xf32>
      %ge3A_531 = arith.cmpf oge, %get3A_530, %broadcast_in_dim3A_143 : vector<16xf32>
      %select_n3A_532 = arith.select %ge3A_531, %get3A_530, %broadcast_in_dim3A_54 : vector<16xi1>, vector<16xf32>
      %add3A_533 = arith.addf %scan3A_518, %select_n3A_532 : vector<16xf32>
      %select_n3A_534 = arith.select %ge3A_531, %broadcast_in_dim3A_50, %broadcast_in_dim3A_52 : vector<16xi1>, vector<16xi32>
      %add3A_535 = arith.addi %scan3A_519, %select_n3A_534 : vector<16xi32>
      %select_n3A_536 = arith.select %ge3A, %get3A_530, %broadcast_in_dim3A_54 : vector<16xi1>, vector<16xf32>
      %add3A_537 = arith.addf %scan3A_520, %select_n3A_536 : vector<16xf32>
      %select_n3A_538 = arith.select %ge3A, %broadcast_in_dim3A_50, %broadcast_in_dim3A_52 : vector<16xi1>, vector<16xi32>
      %add3A_539 = arith.addi %scan3A_521, %select_n3A_538 : vector<16xi32>
      %add3A_540 = arith.constant 16 : i32
      %add3A_541 = arith.addi %mul3A_523, %add3A_540 : i32
      %get3A_542 = arith.constant 0 : i32
      %get3A_543 = tpu.memref_slice %arg7[%scan3A_144, %get3A_542] : memref<2x8192xf32, #tpu.memory_space<vmem>> -> memref<1x8192xf32, #tpu.memory_space<vmem>>
      %get3A_544 = tpu.memref_squeeze %get3A_543 : memref<1x8192xf32, #tpu.memory_space<vmem>> -> memref<8192xf32, #tpu.memory_space<vmem>>
      %get3A_545 = arith.index_cast %add3A_541 : i32 to index
      %get3A_546 = tpu.vector_load %get3A_544[%get3A_545] {strides = array<i32>} : memref<8192xf32, #tpu.memory_space<vmem>>, vector<16xf32>,
      %get3A_547 = vector.shape_cast %get3A_546 : vector<16xf32> to vector<16xf32>
      %ge3A_548 = arith.cmpf oge, %get3A_547, %broadcast_in_dim3A_141 : vector<16xf32>
      %ge3A_549 = arith.cmpf oge, %get3A_547, %broadcast_in_dim3A_143 : vector<16xf32>
      %select_n3A_550 = arith.select %ge3A_549, %get3A_547, %broadcast_in_dim3A_54 : vector<16xi1>, vector<16xf32>
      %add3A_551 = arith.addf %add3A_533, %select_n3A_550 : vector<16xf32>
      %select_n3A_552 = arith.select %ge3A_549, %broadcast_in_dim3A_50, %broadcast_in_dim3A_52 : vector<16xi1>, vector<16xi32>
      %add3A_553 = arith.addi %add3A_535, %select_n3A_552 : vector<16xi32>
      %select_n3A_554 = arith.select %ge3A_548, %get3A_547, %broadcast_in_dim3A_54 : vector<16xi1>, vector<16xf32>
      %add3A_555 = arith.addf %add3A_537, %select_n3A_554 : vector<16xf32>
      %select_n3A_556 = arith.select %ge3A_548, %broadcast_in_dim3A_50, %broadcast_in_dim3A_52 : vector<16xi1>, vector<16xi32>
      %add3A_557 = arith.addi %add3A_539, %select_n3A_556 : vector<16xi32>
      %add3A_558 = arith.constant 32 : i32
      %add3A_559 = arith.addi %mul3A_523, %add3A_558 : i32
      %get3A_560 = arith.constant 0 : i32
      %get3A_561 = tpu.memref_slice %arg7[%scan3A_144, %get3A_560] : memref<2x8192xf32, #tpu.memory_space<vmem>> -> memref<1x8192xf32, #tpu.memory_space<vmem>>
      %get3A_562 = tpu.memref_squeeze %get3A_561 : memref<1x8192xf32, #tpu.memory_space<vmem>> -> memref<8192xf32, #tpu.memory_space<vmem>>
      %get3A_563 = arith.index_cast %add3A_559 : i32 to index
      %get3A_564 = tpu.vector_load %get3A_562[%get3A_563] {strides = array<i32>} : memref<8192xf32, #tpu.memory_space<vmem>>, vector<16xf32>,
      %get3A_565 = vector.shape_cast %get3A_564 : vector<16xf32> to vector<16xf32>
      %ge3A_566 = arith.cmpf oge, %get3A_565, %broadcast_in_dim3A_141 : vector<16xf32>
      %ge3A_567 = arith.cmpf oge, %get3A_565, %broadcast_in_dim3A_143 : vector<16xf32>
      %select_n3A_568 = arith.select %ge3A_567, %get3A_565, %broadcast_in_dim3A_54 : vector<16xi1>, vector<16xf32>
      %add3A_569 = arith.addf %add3A_551, %select_n3A_568 : vector<16xf32>
      %select_n3A_570 = arith.select %ge3A_567, %broadcast_in_dim3A_50, %broadcast_in_dim3A_52 : vector<16xi1>, vector<16xi32>
      %add3A_571 = arith.addi %add3A_553, %select_n3A_570 : vector<16xi32>
      %select_n3A_572 = arith.select %ge3A_566, %get3A_565, %broadcast_in_dim3A_54 : vector<16xi1>, vector<16xf32>
      %add3A_573 = arith.addf %add3A_555, %select_n3A_572 : vector<16xf32>
      %select_n3A_574 = arith.select %ge3A_566, %broadcast_in_dim3A_50, %broadcast_in_dim3A_52 : vector<16xi1>, vector<16xi32>
      %add3A_575 = arith.addi %add3A_557, %select_n3A_574 : vector<16xi32>
      %add3A_576 = arith.constant 48 : i32
      %add3A_577 = arith.addi %mul3A_523, %add3A_576 : i32
      %get3A_578 = arith.constant 0 : i32
      %get3A_579 = tpu.memref_slice %arg7[%scan3A_144, %get3A_578] : memref<2x8192xf32, #tpu.memory_space<vmem>> -> memref<1x8192xf32, #tpu.memory_space<vmem>>
      %get3A_580 = tpu.memref_squeeze %get3A_579 : memref<1x8192xf32, #tpu.memory_space<vmem>> -> memref<8192xf32, #tpu.memory_space<vmem>>
      %get3A_581 = arith.index_cast %add3A_577 : i32 to index
      %get3A_582 = tpu.vector_load %get3A_580[%get3A_581] {strides = array<i32>} : memref<8192xf32, #tpu.memory_space<vmem>>, vector<16xf32>,
      %get3A_583 = vector.shape_cast %get3A_582 : vector<16xf32> to vector<16xf32>
      %ge3A_584 = arith.cmpf oge, %get3A_583, %broadcast_in_dim3A_141 : vector<16xf32>
      %ge3A_585 = arith.cmpf oge, %get3A_583, %broadcast_in_dim3A_143 : vector<16xf32>
      %select_n3A_586 = arith.select %ge3A_585, %get3A_583, %broadcast_in_dim3A_54 : vector<16xi1>, vector<16xf32>
      %add3A_587 = arith.addf %add3A_569, %select_n3A_586 : vector<16xf32>
      %select_n3A_588 = arith.select %ge3A_585, %broadcast_in_dim3A_50, %broadcast_in_dim3A_52 : vector<16xi1>, vector<16xi32>
      %add3A_589 = arith.addi %add3A_571, %select_n3A_588 : vector<16xi32>
      %select_n3A_590 = arith.select %ge3A_584, %get3A_583, %broadcast_in_dim3A_54 : vector<16xi1>, vector<16xf32>
      %add3A_591 = arith.addf %add3A_573, %select_n3A_590 : vector<16xf32>
      %select_n3A_592 = arith.select %ge3A_584, %broadcast_in_dim3A_50, %broadcast_in_dim3A_52 : vector<16xi1>, vector<16xi32>
      %add3A_593 = arith.addi %add3A_575, %select_n3A_592 : vector<16xi32>
      %add3A_594 = arith.constant 64 : i32
      %add3A_595 = arith.addi %mul3A_523, %add3A_594 : i32
      %get3A_596 = arith.constant 0 : i32
      %get3A_597 = tpu.memref_slice %arg7[%scan3A_144, %get3A_596] : memref<2x8192xf32, #tpu.memory_space<vmem>> -> memref<1x8192xf32, #tpu.memory_space<vmem>>
      %get3A_598 = tpu.memref_squeeze %get3A_597 : memref<1x8192xf32, #tpu.memory_space<vmem>> -> memref<8192xf32, #tpu.memory_space<vmem>>
      %get3A_599 = arith.index_cast %add3A_595 : i32 to index
      %get3A_600 = tpu.vector_load %get3A_598[%get3A_599] {strides = array<i32>} : memref<8192xf32, #tpu.memory_space<vmem>>, vector<16xf32>,
      %get3A_601 = vector.shape_cast %get3A_600 : vector<16xf32> to vector<16xf32>
      %ge3A_602 = arith.cmpf oge, %get3A_601, %broadcast_in_dim3A_141 : vector<16xf32>
      %ge3A_603 = arith.cmpf oge, %get3A_601, %broadcast_in_dim3A_143 : vector<16xf32>
      %select_n3A_604 = arith.select %ge3A_603, %get3A_601, %broadcast_in_dim3A_54 : vector<16xi1>, vector<16xf32>
      %add3A_605 = arith.addf %add3A_587, %select_n3A_604 : vector<16xf32>
      %select_n3A_606 = arith.select %ge3A_603, %broadcast_in_dim3A_50, %broadcast_in_dim3A_52 : vector<16xi1>, vector<16xi32>
      %add3A_607 = arith.addi %add3A_589, %select_n3A_606 : vector<16xi32>
      %select_n3A_608 = arith.select %ge3A_602, %get3A_601, %broadcast_in_dim3A_54 : vector<16xi1>, vector<16xf32>
      %add3A_609 = arith.addf %add3A_591, %select_n3A_608 : vector<16xf32>
      %select_n3A_610 = arith.select %ge3A_602, %broadcast_in_dim3A_50, %broadcast_in_dim3A_52 : vector<16xi1>, vector<16xi32>
      %add3A_611 = arith.addi %add3A_593, %select_n3A_610 : vector<16xi32>
      %add3A_612 = arith.constant 80 : i32
      %add3A_613 = arith.addi %mul3A_523, %add3A_612 : i32
      %get3A_614 = arith.constant 0 : i32
      %get3A_615 = tpu.memref_slice %arg7[%scan3A_144, %get3A_614] : memref<2x8192xf32, #tpu.memory_space<vmem>> -> memref<1x8192xf32, #tpu.memory_space<vmem>>
      %get3A_616 = tpu.memref_squeeze %get3A_615 : memref<1x8192xf32, #tpu.memory_space<vmem>> -> memref<8192xf32, #tpu.memory_space<vmem>>
      %get3A_617 = arith.index_cast %add3A_613 : i32 to index
      %get3A_618 = tpu.vector_load %get3A_616[%get3A_617] {strides = array<i32>} : memref<8192xf32, #tpu.memory_space<vmem>>, vector<16xf32>,
      %get3A_619 = vector.shape_cast %get3A_618 : vector<16xf32> to vector<16xf32>
      %ge3A_620 = arith.cmpf oge, %get3A_619, %broadcast_in_dim3A_141 : vector<16xf32>
      %ge3A_621 = arith.cmpf oge, %get3A_619, %broadcast_in_dim3A_143 : vector<16xf32>
      %select_n3A_622 = arith.select %ge3A_621, %get3A_619, %broadcast_in_dim3A_54 : vector<16xi1>, vector<16xf32>
      %add3A_623 = arith.addf %add3A_605, %select_n3A_622 : vector<16xf32>
      %select_n3A_624 = arith.select %ge3A_621, %broadcast_in_dim3A_50, %broadcast_in_dim3A_52 : vector<16xi1>, vector<16xi32>
      %add3A_625 = arith.addi %add3A_607, %select_n3A_624 : vector<16xi32>
      %select_n3A_626 = arith.select %ge3A_620, %get3A_619, %broadcast_in_dim3A_54 : vector<16xi1>, vector<16xf32>
      %add3A_627 = arith.addf %add3A_609, %select_n3A_626 : vector<16xf32>
      %select_n3A_628 = arith.select %ge3A_620, %broadcast_in_dim3A_50, %broadcast_in_dim3A_52 : vector<16xi1>, vector<16xi32>
      %add3A_629 = arith.addi %add3A_611, %select_n3A_628 : vector<16xi32>
      %add3A_630 = arith.constant 96 : i32
      %add3A_631 = arith.addi %mul3A_523, %add3A_630 : i32
      %get3A_632 = arith.constant 0 : i32
      %get3A_633 = tpu.memref_slice %arg7[%scan3A_144, %get3A_632] : memref<2x8192xf32, #tpu.memory_space<vmem>> -> memref<1x8192xf32, #tpu.memory_space<vmem>>
      %get3A_634 = tpu.memref_squeeze %get3A_633 : memref<1x8192xf32, #tpu.memory_space<vmem>> -> memref<8192xf32, #tpu.memory_space<vmem>>
      %get3A_635 = arith.index_cast %add3A_631 : i32 to index
      %get3A_636 = tpu.vector_load %get3A_634[%get3A_635] {strides = array<i32>} : memref<8192xf32, #tpu.memory_space<vmem>>, vector<16xf32>,
      %get3A_637 = vector.shape_cast %get3A_636 : vector<16xf32> to vector<16xf32>
      %ge3A_638 = arith.cmpf oge, %get3A_637, %broadcast_in_dim3A_141 : vector<16xf32>
      %ge3A_639 = arith.cmpf oge, %get3A_637, %broadcast_in_dim3A_143 : vector<16xf32>
      %select_n3A_640 = arith.select %ge3A_639, %get3A_637, %broadcast_in_dim3A_54 : vector<16xi1>, vector<16xf32>
      %add3A_641 = arith.addf %add3A_623, %select_n3A_640 : vector<16xf32>
      %select_n3A_642 = arith.select %ge3A_639, %broadcast_in_dim3A_50, %broadcast_in_dim3A_52 : vector<16xi1>, vector<16xi32>
      %add3A_643 = arith.addi %add3A_625, %select_n3A_642 : vector<16xi32>
      %select_n3A_644 = arith.select %ge3A_638, %get3A_637, %broadcast_in_dim3A_54 : vector<16xi1>, vector<16xf32>
      %add3A_645 = arith.addf %add3A_627, %select_n3A_644 : vector<16xf32>
      %select_n3A_646 = arith.select %ge3A_638, %broadcast_in_dim3A_50, %broadcast_in_dim3A_52 : vector<16xi1>, vector<16xi32>
      %add3A_647 = arith.addi %add3A_629, %select_n3A_646 : vector<16xi32>
      %add3A_648 = arith.constant 112 : i32
      %add3A_649 = arith.addi %mul3A_523, %add3A_648 : i32
      %get3A_650 = arith.constant 0 : i32
      %get3A_651 = tpu.memref_slice %arg7[%scan3A_144, %get3A_650] : memref<2x8192xf32, #tpu.memory_space<vmem>> -> memref<1x8192xf32, #tpu.memory_space<vmem>>
      %get3A_652 = tpu.memref_squeeze %get3A_651 : memref<1x8192xf32, #tpu.memory_space<vmem>> -> memref<8192xf32, #tpu.memory_space<vmem>>
      %get3A_653 = arith.index_cast %add3A_649 : i32 to index
      %get3A_654 = tpu.vector_load %get3A_652[%get3A_653] {strides = array<i32>} : memref<8192xf32, #tpu.memory_space<vmem>>, vector<16xf32>,
      %get3A_655 = vector.shape_cast %get3A_654 : vector<16xf32> to vector<16xf32>
      %ge3A_656 = arith.cmpf oge, %get3A_655, %broadcast_in_dim3A_141 : vector<16xf32>
      %ge3A_657 = arith.cmpf oge, %get3A_655, %broadcast_in_dim3A_143 : vector<16xf32>
      %select_n3A_658 = arith.select %ge3A_657, %get3A_655, %broadcast_in_dim3A_54 : vector<16xi1>, vector<16xf32>
      %add3A_659 = arith.addf %add3A_641, %select_n3A_658 : vector<16xf32>
      %select_n3A_660 = arith.select %ge3A_657, %broadcast_in_dim3A_50, %broadcast_in_dim3A_52 : vector<16xi1>, vector<16xi32>
      %add3A_661 = arith.addi %add3A_643, %select_n3A_660 : vector<16xi32>
      %select_n3A_662 = arith.select %ge3A_656, %get3A_655, %broadcast_in_dim3A_54 : vector<16xi1>, vector<16xf32>
      %add3A_663 = arith.addf %add3A_645, %select_n3A_662 : vector<16xf32>
      %select_n3A_664 = arith.select %ge3A_656, %broadcast_in_dim3A_50, %broadcast_in_dim3A_52 : vector<16xi1>, vector<16xi32>
      %add3A_665 = arith.addi %add3A_647, %select_n3A_664 : vector<16xi32>
      scf.yield %add3A_659, %add3A_661, %add3A_663, %add3A_665 : vector<16xf32>, vector<16xi32>, vector<16xf32>, vector<16xi32>
    }
    %scan3A_150 = arith.constant 64 : i32
    %xor3A_151 = arith.constant 8 : i32
    %xor3A_152 = vector.broadcast %xor3A_151 : i32 to vector<16xi32>
    %xor3A_153 = arith.xori %iota3A, %xor3A_152 : vector<16xi32>
    %broadcast_in_dim3A_154 = vector.shape_cast %xor3A_153 : vector<16xi32> to vector<16x1xi32>
    %gather3A_155 = vector.shape_cast %broadcast_in_dim3A_154 : vector<16x1xi32> to vector<16xi32>
    %gather3A_156 = tpu.dynamic_gather %scan3A_149#1[%gather3A_155] in [0] : vector<16xi32>, vector<16xi32> -> vector<16xi32>
    %add3A_157 = arith.addi %scan3A_149#1, %gather3A_156 : vector<16xi32>
    %xor3A_158 = arith.constant 4 : i32
    %xor3A_159 = vector.broadcast %xor3A_158 : i32 to vector<16xi32>
    %xor3A_160 = arith.xori %iota3A, %xor3A_159 : vector<16xi32>
    %broadcast_in_dim3A_161 = vector.shape_cast %xor3A_160 : vector<16xi32> to vector<16x1xi32>
    %gather3A_162 = vector.shape_cast %broadcast_in_dim3A_161 : vector<16x1xi32> to vector<16xi32>
    %gather3A_163 = tpu.dynamic_gather %add3A_157[%gather3A_162] in [0] : vector<16xi32>, vector<16xi32> -> vector<16xi32>
    %add3A_164 = arith.addi %add3A_157, %gather3A_163 : vector<16xi32>
    %xor3A_165 = arith.constant 2 : i32
    %xor3A_166 = vector.broadcast %xor3A_165 : i32 to vector<16xi32>
    %xor3A_167 = arith.xori %iota3A, %xor3A_166 : vector<16xi32>
    %broadcast_in_dim3A_168 = vector.shape_cast %xor3A_167 : vector<16xi32> to vector<16x1xi32>
    %gather3A_169 = vector.shape_cast %broadcast_in_dim3A_168 : vector<16x1xi32> to vector<16xi32>
    %gather3A_170 = tpu.dynamic_gather %add3A_164[%gather3A_169] in [0] : vector<16xi32>, vector<16xi32> -> vector<16xi32>
    %add3A_171 = arith.addi %add3A_164, %gather3A_170 : vector<16xi32>
    %xor3A_172 = arith.constant 1 : i32
    %xor3A_173 = vector.broadcast %xor3A_172 : i32 to vector<16xi32>
    %xor3A_174 = arith.xori %iota3A, %xor3A_173 : vector<16xi32>
    %broadcast_in_dim3A_175 = vector.shape_cast %xor3A_174 : vector<16xi32> to vector<16x1xi32>
    %gather3A_176 = vector.shape_cast %broadcast_in_dim3A_175 : vector<16x1xi32> to vector<16xi32>
    %gather3A_177 = tpu.dynamic_gather %add3A_171[%gather3A_176] in [0] : vector<16xi32>, vector<16xi32> -> vector<16xi32>
    %add3A_178 = arith.addi %add3A_171, %gather3A_177 : vector<16xi32>
    %slice3A_179 = vector.extract_strided_slice %add3A_178 {offsets = [0], sizes = [1], strides = [1]} : vector<16xi32> to vector<1xi32>
    %squeeze3A_180 = vector.extract %slice3A_179[0] : i32 from vector<1xi32>
    %xor3A_181 = arith.constant 8 : i32
    %xor3A_182 = vector.broadcast %xor3A_181 : i32 to vector<16xi32>
    %xor3A_183 = arith.xori %iota3A, %xor3A_182 : vector<16xi32>
    %broadcast_in_dim3A_184 = vector.shape_cast %xor3A_183 : vector<16xi32> to vector<16x1xi32>
    %gather3A_185 = vector.shape_cast %broadcast_in_dim3A_184 : vector<16x1xi32> to vector<16xi32>
    %gather3A_186 = tpu.dynamic_gather %scan3A_149#3[%gather3A_185] in [0] : vector<16xi32>, vector<16xi32> -> vector<16xi32>
    %add3A_187 = arith.addi %scan3A_149#3, %gather3A_186 : vector<16xi32>
    %xor3A_188 = arith.constant 4 : i32
    %xor3A_189 = vector.broadcast %xor3A_188 : i32 to vector<16xi32>
    %xor3A_190 = arith.xori %iota3A, %xor3A_189 : vector<16xi32>
    %broadcast_in_dim3A_191 = vector.shape_cast %xor3A_190 : vector<16xi32> to vector<16x1xi32>
    %gather3A_192 = vector.shape_cast %broadcast_in_dim3A_191 : vector<16x1xi32> to vector<16xi32>
    %gather3A_193 = tpu.dynamic_gather %add3A_187[%gather3A_192] in [0] : vector<16xi32>, vector<16xi32> -> vector<16xi32>
    %add3A_194 = arith.addi %add3A_187, %gather3A_193 : vector<16xi32>
    %xor3A_195 = arith.constant 2 : i32
    %xor3A_196 = vector.broadcast %xor3A_195 : i32 to vector<16xi32>
    %xor3A_197 = arith.xori %iota3A, %xor3A_196 : vector<16xi32>
    %broadcast_in_dim3A_198 = vector.shape_cast %xor3A_197 : vector<16xi32> to vector<16x1xi32>
    %gather3A_199 = vector.shape_cast %broadcast_in_dim3A_198 : vector<16x1xi32> to vector<16xi32>
    %gather3A_200 = tpu.dynamic_gather %add3A_194[%gather3A_199] in [0] : vector<16xi32>, vector<16xi32> -> vector<16xi32>
    %add3A_201 = arith.addi %add3A_194, %gather3A_200 : vector<16xi32>
    %xor3A_202 = arith.constant 1 : i32
    %xor3A_203 = vector.broadcast %xor3A_202 : i32 to vector<16xi32>
    %xor3A_204 = arith.xori %iota3A, %xor3A_203 : vector<16xi32>
    %broadcast_in_dim3A_205 = vector.shape_cast %xor3A_204 : vector<16xi32> to vector<16x1xi32>
    %gather3A_206 = vector.shape_cast %broadcast_in_dim3A_205 : vector<16x1xi32> to vector<16xi32>
    %gather3A_207 = tpu.dynamic_gather %add3A_201[%gather3A_206] in [0] : vector<16xi32>, vector<16xi32> -> vector<16xi32>
    %add3A_208 = arith.addi %add3A_201, %gather3A_207 : vector<16xi32>
    %slice3A_209 = vector.extract_strided_slice %add3A_208 {offsets = [0], sizes = [1], strides = [1]} : vector<16xi32> to vector<1xi32>
    %squeeze3A_210 = vector.extract %slice3A_209[0] : i32 from vector<1xi32>
    %sub3A = arith.subi %squeeze3A_210, %squeeze3A_180 : i32
    %xor3A_211 = arith.constant 8 : i32
    %xor3A_212 = vector.broadcast %xor3A_211 : i32 to vector<16xi32>
    %xor3A_213 = arith.xori %iota3A, %xor3A_212 : vector<16xi32>
    %broadcast_in_dim3A_214 = vector.shape_cast %xor3A_213 : vector<16xi32> to vector<16x1xi32>
    %gather3A_215 = vector.shape_cast %broadcast_in_dim3A_214 : vector<16x1xi32> to vector<16xi32>
    %gather3A_216 = tpu.dynamic_gather %scan3A_149#0[%gather3A_215] in [0] : vector<16xf32>, vector<16xi32> -> vector<16xf32>
    %add3A_217 = arith.addf %scan3A_149#0, %gather3A_216 : vector<16xf32>
    %xor3A_218 = arith.constant 4 : i32
    %xor3A_219 = vector.broadcast %xor3A_218 : i32 to vector<16xi32>
    %xor3A_220 = arith.xori %iota3A, %xor3A_219 : vector<16xi32>
    %broadcast_in_dim3A_221 = vector.shape_cast %xor3A_220 : vector<16xi32> to vector<16x1xi32>
    %gather3A_222 = vector.shape_cast %broadcast_in_dim3A_221 : vector<16x1xi32> to vector<16xi32>
    %gather3A_223 = tpu.dynamic_gather %add3A_217[%gather3A_222] in [0] : vector<16xf32>, vector<16xi32> -> vector<16xf32>
    %add3A_224 = arith.addf %add3A_217, %gather3A_223 : vector<16xf32>
    %xor3A_225 = arith.constant 2 : i32
    %xor3A_226 = vector.broadcast %xor3A_225 : i32 to vector<16xi32>
    %xor3A_227 = arith.xori %iota3A, %xor3A_226 : vector<16xi32>
    %broadcast_in_dim3A_228 = vector.shape_cast %xor3A_227 : vector<16xi32> to vector<16x1xi32>
    %gather3A_229 = vector.shape_cast %broadcast_in_dim3A_228 : vector<16x1xi32> to vector<16xi32>
    %gather3A_230 = tpu.dynamic_gather %add3A_224[%gather3A_229] in [0] : vector<16xf32>, vector<16xi32> -> vector<16xf32>
    %add3A_231 = arith.addf %add3A_224, %gather3A_230 : vector<16xf32>
    %xor3A_232 = arith.constant 1 : i32
    %xor3A_233 = vector.broadcast %xor3A_232 : i32 to vector<16xi32>
    %xor3A_234 = arith.xori %iota3A, %xor3A_233 : vector<16xi32>
    %broadcast_in_dim3A_235 = vector.shape_cast %xor3A_234 : vector<16xi32> to vector<16x1xi32>
    %gather3A_236 = vector.shape_cast %broadcast_in_dim3A_235 : vector<16x1xi32> to vector<16xi32>
    %gather3A_237 = tpu.dynamic_gather %add3A_231[%gather3A_236] in [0] : vector<16xf32>, vector<16xi32> -> vector<16xf32>
    %add3A_238 = arith.addf %add3A_231, %gather3A_237 : vector<16xf32>
    %slice3A_239 = vector.extract_strided_slice %add3A_238 {offsets = [0], sizes = [1], strides = [1]} : vector<16xf32> to vector<1xf32>
    %squeeze3A_240 = vector.extract %slice3A_239[0] : f32 from vector<1xf32>
    %xor3A_241 = arith.constant 8 : i32
    %xor3A_242 = vector.broadcast %xor3A_241 : i32 to vector<16xi32>
    %xor3A_243 = arith.xori %iota3A, %xor3A_242 : vector<16xi32>
    %broadcast_in_dim3A_244 = vector.shape_cast %xor3A_243 : vector<16xi32> to vector<16x1xi32>
    %gather3A_245 = vector.shape_cast %broadcast_in_dim3A_244 : vector<16x1xi32> to vector<16xi32>
    %gather3A_246 = tpu.dynamic_gather %scan3A_149#2[%gather3A_245] in [0] : vector<16xf32>, vector<16xi32> -> vector<16xf32>
    %add3A_247 = arith.addf %scan3A_149#2, %gather3A_246 : vector<16xf32>
    %xor3A_248 = arith.constant 4 : i32
    %xor3A_249 = vector.broadcast %xor3A_248 : i32 to vector<16xi32>
    %xor3A_250 = arith.xori %iota3A, %xor3A_249 : vector<16xi32>
    %broadcast_in_dim3A_251 = vector.shape_cast %xor3A_250 : vector<16xi32> to vector<16x1xi32>
    %gather3A_252 = vector.shape_cast %broadcast_in_dim3A_251 : vector<16x1xi32> to vector<16xi32>
    %gather3A_253 = tpu.dynamic_gather %add3A_247[%gather3A_252] in [0] : vector<16xf32>, vector<16xi32> -> vector<16xf32>
    %add3A_254 = arith.addf %add3A_247, %gather3A_253 : vector<16xf32>
    %xor3A_255 = arith.constant 2 : i32
    %xor3A_256 = vector.broadcast %xor3A_255 : i32 to vector<16xi32>
    %xor3A_257 = arith.xori %iota3A, %xor3A_256 : vector<16xi32>
    %broadcast_in_dim3A_258 = vector.shape_cast %xor3A_257 : vector<16xi32> to vector<16x1xi32>
    %gather3A_259 = vector.shape_cast %broadcast_in_dim3A_258 : vector<16x1xi32> to vector<16xi32>
    %gather3A_260 = tpu.dynamic_gather %add3A_254[%gather3A_259] in [0] : vector<16xf32>, vector<16xi32> -> vector<16xf32>
    %add3A_261 = arith.addf %add3A_254, %gather3A_260 : vector<16xf32>
    %xor3A_262 = arith.constant 1 : i32
    %xor3A_263 = vector.broadcast %xor3A_262 : i32 to vector<16xi32>
    %xor3A_264 = arith.xori %iota3A, %xor3A_263 : vector<16xi32>
    %broadcast_in_dim3A_265 = vector.shape_cast %xor3A_264 : vector<16xi32> to vector<16x1xi32>
    %gather3A_266 = vector.shape_cast %broadcast_in_dim3A_265 : vector<16x1xi32> to vector<16xi32>
    %gather3A_267 = tpu.dynamic_gather %add3A_261[%gather3A_266] in [0] : vector<16xf32>, vector<16xi32> -> vector<16xf32>
    %add3A_268 = arith.addf %add3A_261, %gather3A_267 : vector<16xf32>
    %slice3A_269 = vector.extract_strided_slice %add3A_268 {offsets = [0], sizes = [1], strides = [1]} : vector<16xf32> to vector<1xf32>
    %squeeze3A_270 = vector.extract %slice3A_269[0] : f32 from vector<1xf32>
    %sub3A_271 = arith.subf %squeeze3A_270, %squeeze3A_240 : f32
    %sub3A_272 = arith.constant 163 : i32
    %sub3A_273 = arith.subi %sub3A_272, %squeeze3A_180 : i32
    %convert_element_type3A = arith.sitofp %sub3A_273 : i32 to f32
    %eq3A = arith.constant 0 : i32
    %eq3A_274 = vector.broadcast %eq3A : i32 to vector<16xi32>
    %eq3A_275 = arith.cmpi eq, %iota3A, %eq3A_274 : vector<16xi32>
    %jit3A = arith.constant 0.000000e+00 : f32
    %broadcast_in_dim3A_276 = vector.broadcast %squeeze3A_240 : f32 to vector<16xf32>
    %broadcast_in_dim3A_277 = vector.broadcast %jit3A : f32 to vector<16xf32>
    %select_n3A = arith.select %eq3A_275, %broadcast_in_dim3A_276, %broadcast_in_dim3A_277 : vector<16xi1>, vector<16xf32>
    %add3A_278 = arith.addf %broadcast_in_dim3A_54, %select_n3A : vector<16xf32>
    %eq3A_279 = arith.constant 1 : i32
    %eq3A_280 = vector.broadcast %eq3A_279 : i32 to vector<16xi32>
    %eq3A_281 = arith.cmpi eq, %iota3A, %eq3A_280 : vector<16xi32>
    %jit3A_282 = arith.constant 0.000000e+00 : f32
    %broadcast_in_dim3A_283 = vector.broadcast %convert_element_type3A : f32 to vector<16xf32>
    %broadcast_in_dim3A_284 = vector.broadcast %jit3A_282 : f32 to vector<16xf32>
    %select_n3A_285 = arith.select %eq3A_281, %broadcast_in_dim3A_283, %broadcast_in_dim3A_284 : vector<16xi1>, vector<16xf32>
    %add3A_286 = arith.addf %add3A_278, %select_n3A_285 : vector<16xf32>
    %eq3A_287 = arith.constant 2 : i32
    %eq3A_288 = vector.broadcast %eq3A_287 : i32 to vector<16xi32>
    %eq3A_289 = arith.cmpi eq, %iota3A, %eq3A_288 : vector<16xi32>
    %jit3A_290 = arith.constant 0.000000e+00 : f32
    %broadcast_in_dim3A_291 = vector.broadcast %sub3A_271 : f32 to vector<16xf32>
    %broadcast_in_dim3A_292 = vector.broadcast %jit3A_290 : f32 to vector<16xf32>
    %select_n3A_293 = arith.select %eq3A_289, %broadcast_in_dim3A_291, %broadcast_in_dim3A_292 : vector<16xi1>, vector<16xf32>
    %add3A_294 = arith.addf %add3A_286, %select_n3A_293 : vector<16xf32>
    %eq3A_295 = arith.constant 3 : i32
    %eq3A_296 = vector.broadcast %eq3A_295 : i32 to vector<16xi32>
    %eq3A_297 = arith.cmpi eq, %iota3A, %eq3A_296 : vector<16xi32>
    %convert_element_type3A_298 = arith.sitofp %sub3A : i32 to f32
    %jit3A_299 = arith.constant 0.000000e+00 : f32
    %broadcast_in_dim3A_300 = vector.broadcast %convert_element_type3A_298 : f32 to vector<16xf32>
    %broadcast_in_dim3A_301 = vector.broadcast %jit3A_299 : f32 to vector<16xf32>
    %select_n3A_302 = arith.select %eq3A_297, %broadcast_in_dim3A_300, %broadcast_in_dim3A_301 : vector<16xi1>, vector<16xf32>
    %add3A_303 = arith.addf %add3A_294, %select_n3A_302 : vector<16xf32>
    %xor3A_304 = arith.constant 8 : i32
    %xor3A_305 = vector.broadcast %xor3A_304 : i32 to vector<16xi32>
    %xor3A_306 = arith.xori %iota3A, %xor3A_305 : vector<16xi32>
    %broadcast_in_dim3A_307 = vector.shape_cast %xor3A_306 : vector<16xi32> to vector<16x1xi32>
    %gather3A_308 = vector.shape_cast %broadcast_in_dim3A_307 : vector<16x1xi32> to vector<16xi32>
    %gather3A_309 = tpu.dynamic_gather %scan3A_103[%gather3A_308] in [0] : vector<16xf32>, vector<16xi32> -> vector<16xf32>
    %max3A_310 = arith.maximumf %scan3A_103, %gather3A_309 : vector<16xf32>
    %xor3A_311 = arith.constant 4 : i32
    %xor3A_312 = vector.broadcast %xor3A_311 : i32 to vector<16xi32>
    %xor3A_313 = arith.xori %iota3A, %xor3A_312 : vector<16xi32>
    %broadcast_in_dim3A_314 = vector.shape_cast %xor3A_313 : vector<16xi32> to vector<16x1xi32>
    %gather3A_315 = vector.shape_cast %broadcast_in_dim3A_314 : vector<16x1xi32> to vector<16xi32>
    %gather3A_316 = tpu.dynamic_gather %max3A_310[%gather3A_315] in [0] : vector<16xf32>, vector<16xi32> -> vector<16xf32>
    %max3A_317 = arith.maximumf %max3A_310, %gather3A_316 : vector<16xf32>
    %xor3A_318 = arith.constant 2 : i32
    %xor3A_319 = vector.broadcast %xor3A_318 : i32 to vector<16xi32>
    %xor3A_320 = arith.xori %iota3A, %xor3A_319 : vector<16xi32>
    %broadcast_in_dim3A_321 = vector.shape_cast %xor3A_320 : vector<16xi32> to vector<16x1xi32>
    %gather3A_322 = vector.shape_cast %broadcast_in_dim3A_321 : vector<16x1xi32> to vector<16xi32>
    %gather3A_323 = tpu.dynamic_gather %max3A_317[%gather3A_322] in [0] : vector<16xf32>, vector<16xi32> -> vector<16xf32>
    %max3A_324 = arith.maximumf %max3A_317, %gather3A_323 : vector<16xf32>
    %xor3A_325 = arith.constant 1 : i32
    %xor3A_326 = vector.broadcast %xor3A_325 : i32 to vector<16xi32>
    %xor3A_327 = arith.xori %iota3A, %xor3A_326 : vector<16xi32>
    %broadcast_in_dim3A_328 = vector.shape_cast %xor3A_327 : vector<16xi32> to vector<16x1xi32>
    %gather3A_329 = vector.shape_cast %broadcast_in_dim3A_328 : vector<16x1xi32> to vector<16xi32>
    %gather3A_330 = tpu.dynamic_gather %max3A_324[%gather3A_329] in [0] : vector<16xf32>, vector<16xi32> -> vector<16xf32>
    %max3A_331 = arith.maximumf %max3A_324, %gather3A_330 : vector<16xf32>
    %slice3A_332 = vector.extract_strided_slice %max3A_331 {offsets = [0], sizes = [1], strides = [1]} : vector<16xf32> to vector<1xf32>
    %squeeze3A_333 = vector.extract %slice3A_332[0] : f32 from vector<1xf32>
    %bitcast_convert_type3A_334 = arith.bitcast %squeeze3A_333 : f32 to i32
    %add3A_335 = arith.constant 1 : i32
    %add3A_336 = arith.addi %bitcast_convert_type3A_334, %add3A_335 : i32
    %scan3A_337 = arith.constant 1 : i32
    %scan3A_338 = arith.constant 0 : i32
    %scan3A_339 = arith.constant 0 : i32
    %scan3A_340 = arith.constant 15 : i32
    %scan3A_341 = arith.addi %scan3A_339, %scan3A_340 : i32
    %scan3A_342 = arith.constant 1 : i32
    %scan3A_343:2 = scf.for %scan3A_517 = %scan3A_339 to %scan3A_341 step %scan3A_342 iter_args(%scan3A_518 = %scan3A_338, %scan3A_519 = %add3A_336) -> (i32, i32)  : i32 {
      %sub3A_520 = arith.subi %scan3A_519, %scan3A_518 : i32
      %shift_right_arithmetic3A = arith.constant 1 : i32
      %shift_right_arithmetic3A_521 = arith.shrsi %sub3A_520, %shift_right_arithmetic3A : i32
      %add3A_522 = arith.addi %scan3A_518, %shift_right_arithmetic3A_521 : i32
      %bitcast_convert_type3A_523 = arith.bitcast %add3A_522 : i32 to f32
      %broadcast_in_dim3A_524 = vector.broadcast %bitcast_convert_type3A_523 : f32 to vector<16xf32>
      %scan3A_525 = arith.constant 0 : i32
      %scan3A_526 = arith.constant 64 : i32
      %scan3A_527 = arith.addi %scan3A_525, %scan3A_526 : i32
      %scan3A_528 = arith.constant 1 : i32
      %scan3A_529 = scf.for %scan3A_564 = %scan3A_525 to %scan3A_527 step %scan3A_528 iter_args(%scan3A_565 = %broadcast_in_dim3A_52) -> (vector<16xi32>)  : i32 {
        %mul3A_566 = arith.constant 128 : i32
        %mul3A_567 = arith.muli %scan3A_564, %mul3A_566 : i32
        %add3A_568 = arith.constant 0 : i32
        %add3A_569 = arith.addi %mul3A_567, %add3A_568 : i32
        %get3A = arith.constant 0 : i32
        %get3A_570 = tpu.memref_slice %arg7[%scan3A_337, %get3A] : memref<2x8192xf32, #tpu.memory_space<vmem>> -> memref<1x8192xf32, #tpu.memory_space<vmem>>
        %get3A_571 = tpu.memref_squeeze %get3A_570 : memref<1x8192xf32, #tpu.memory_space<vmem>> -> memref<8192xf32, #tpu.memory_space<vmem>>
        %get3A_572 = arith.index_cast %add3A_569 : i32 to index
        %get3A_573 = tpu.vector_load %get3A_571[%get3A_572] {strides = array<i32>} : memref<8192xf32, #tpu.memory_space<vmem>>, vector<16xf32>,
        %get3A_574 = vector.shape_cast %get3A_573 : vector<16xf32> to vector<16xf32>
        %ge3A_575 = arith.cmpf oge, %get3A_574, %broadcast_in_dim3A_524 : vector<16xf32>
        %select_n3A_576 = arith.select %ge3A_575, %broadcast_in_dim3A_50, %broadcast_in_dim3A_52 : vector<16xi1>, vector<16xi32>
        %add3A_577 = arith.addi %scan3A_565, %select_n3A_576 : vector<16xi32>
        %add3A_578 = arith.constant 16 : i32
        %add3A_579 = arith.addi %mul3A_567, %add3A_578 : i32
        %get3A_580 = arith.constant 0 : i32
        %get3A_581 = tpu.memref_slice %arg7[%scan3A_337, %get3A_580] : memref<2x8192xf32, #tpu.memory_space<vmem>> -> memref<1x8192xf32, #tpu.memory_space<vmem>>
        %get3A_582 = tpu.memref_squeeze %get3A_581 : memref<1x8192xf32, #tpu.memory_space<vmem>> -> memref<8192xf32, #tpu.memory_space<vmem>>
        %get3A_583 = arith.index_cast %add3A_579 : i32 to index
        %get3A_584 = tpu.vector_load %get3A_582[%get3A_583] {strides = array<i32>} : memref<8192xf32, #tpu.memory_space<vmem>>, vector<16xf32>,
        %get3A_585 = vector.shape_cast %get3A_584 : vector<16xf32> to vector<16xf32>
        %ge3A_586 = arith.cmpf oge, %get3A_585, %broadcast_in_dim3A_524 : vector<16xf32>
        %select_n3A_587 = arith.select %ge3A_586, %broadcast_in_dim3A_50, %broadcast_in_dim3A_52 : vector<16xi1>, vector<16xi32>
        %add3A_588 = arith.addi %add3A_577, %select_n3A_587 : vector<16xi32>
        %add3A_589 = arith.constant 32 : i32
        %add3A_590 = arith.addi %mul3A_567, %add3A_589 : i32
        %get3A_591 = arith.constant 0 : i32
        %get3A_592 = tpu.memref_slice %arg7[%scan3A_337, %get3A_591] : memref<2x8192xf32, #tpu.memory_space<vmem>> -> memref<1x8192xf32, #tpu.memory_space<vmem>>
        %get3A_593 = tpu.memref_squeeze %get3A_592 : memref<1x8192xf32, #tpu.memory_space<vmem>> -> memref<8192xf32, #tpu.memory_space<vmem>>
        %get3A_594 = arith.index_cast %add3A_590 : i32 to index
        %get3A_595 = tpu.vector_load %get3A_593[%get3A_594] {strides = array<i32>} : memref<8192xf32, #tpu.memory_space<vmem>>, vector<16xf32>,
        %get3A_596 = vector.shape_cast %get3A_595 : vector<16xf32> to vector<16xf32>
        %ge3A_597 = arith.cmpf oge, %get3A_596, %broadcast_in_dim3A_524 : vector<16xf32>
        %select_n3A_598 = arith.select %ge3A_597, %broadcast_in_dim3A_50, %broadcast_in_dim3A_52 : vector<16xi1>, vector<16xi32>
        %add3A_599 = arith.addi %add3A_588, %select_n3A_598 : vector<16xi32>
        %add3A_600 = arith.constant 48 : i32
        %add3A_601 = arith.addi %mul3A_567, %add3A_600 : i32
        %get3A_602 = arith.constant 0 : i32
        %get3A_603 = tpu.memref_slice %arg7[%scan3A_337, %get3A_602] : memref<2x8192xf32, #tpu.memory_space<vmem>> -> memref<1x8192xf32, #tpu.memory_space<vmem>>
        %get3A_604 = tpu.memref_squeeze %get3A_603 : memref<1x8192xf32, #tpu.memory_space<vmem>> -> memref<8192xf32, #tpu.memory_space<vmem>>
        %get3A_605 = arith.index_cast %add3A_601 : i32 to index
        %get3A_606 = tpu.vector_load %get3A_604[%get3A_605] {strides = array<i32>} : memref<8192xf32, #tpu.memory_space<vmem>>, vector<16xf32>,
        %get3A_607 = vector.shape_cast %get3A_606 : vector<16xf32> to vector<16xf32>
        %ge3A_608 = arith.cmpf oge, %get3A_607, %broadcast_in_dim3A_524 : vector<16xf32>
        %select_n3A_609 = arith.select %ge3A_608, %broadcast_in_dim3A_50, %broadcast_in_dim3A_52 : vector<16xi1>, vector<16xi32>
        %add3A_610 = arith.addi %add3A_599, %select_n3A_609 : vector<16xi32>
        %add3A_611 = arith.constant 64 : i32
        %add3A_612 = arith.addi %mul3A_567, %add3A_611 : i32
        %get3A_613 = arith.constant 0 : i32
        %get3A_614 = tpu.memref_slice %arg7[%scan3A_337, %get3A_613] : memref<2x8192xf32, #tpu.memory_space<vmem>> -> memref<1x8192xf32, #tpu.memory_space<vmem>>
        %get3A_615 = tpu.memref_squeeze %get3A_614 : memref<1x8192xf32, #tpu.memory_space<vmem>> -> memref<8192xf32, #tpu.memory_space<vmem>>
        %get3A_616 = arith.index_cast %add3A_612 : i32 to index
        %get3A_617 = tpu.vector_load %get3A_615[%get3A_616] {strides = array<i32>} : memref<8192xf32, #tpu.memory_space<vmem>>, vector<16xf32>,
        %get3A_618 = vector.shape_cast %get3A_617 : vector<16xf32> to vector<16xf32>
        %ge3A_619 = arith.cmpf oge, %get3A_618, %broadcast_in_dim3A_524 : vector<16xf32>
        %select_n3A_620 = arith.select %ge3A_619, %broadcast_in_dim3A_50, %broadcast_in_dim3A_52 : vector<16xi1>, vector<16xi32>
        %add3A_621 = arith.addi %add3A_610, %select_n3A_620 : vector<16xi32>
        %add3A_622 = arith.constant 80 : i32
        %add3A_623 = arith.addi %mul3A_567, %add3A_622 : i32
        %get3A_624 = arith.constant 0 : i32
        %get3A_625 = tpu.memref_slice %arg7[%scan3A_337, %get3A_624] : memref<2x8192xf32, #tpu.memory_space<vmem>> -> memref<1x8192xf32, #tpu.memory_space<vmem>>
        %get3A_626 = tpu.memref_squeeze %get3A_625 : memref<1x8192xf32, #tpu.memory_space<vmem>> -> memref<8192xf32, #tpu.memory_space<vmem>>
        %get3A_627 = arith.index_cast %add3A_623 : i32 to index
        %get3A_628 = tpu.vector_load %get3A_626[%get3A_627] {strides = array<i32>} : memref<8192xf32, #tpu.memory_space<vmem>>, vector<16xf32>,
        %get3A_629 = vector.shape_cast %get3A_628 : vector<16xf32> to vector<16xf32>
        %ge3A_630 = arith.cmpf oge, %get3A_629, %broadcast_in_dim3A_524 : vector<16xf32>
        %select_n3A_631 = arith.select %ge3A_630, %broadcast_in_dim3A_50, %broadcast_in_dim3A_52 : vector<16xi1>, vector<16xi32>
        %add3A_632 = arith.addi %add3A_621, %select_n3A_631 : vector<16xi32>
        %add3A_633 = arith.constant 96 : i32
        %add3A_634 = arith.addi %mul3A_567, %add3A_633 : i32
        %get3A_635 = arith.constant 0 : i32
        %get3A_636 = tpu.memref_slice %arg7[%scan3A_337, %get3A_635] : memref<2x8192xf32, #tpu.memory_space<vmem>> -> memref<1x8192xf32, #tpu.memory_space<vmem>>
        %get3A_637 = tpu.memref_squeeze %get3A_636 : memref<1x8192xf32, #tpu.memory_space<vmem>> -> memref<8192xf32, #tpu.memory_space<vmem>>
        %get3A_638 = arith.index_cast %add3A_634 : i32 to index
        %get3A_639 = tpu.vector_load %get3A_637[%get3A_638] {strides = array<i32>} : memref<8192xf32, #tpu.memory_space<vmem>>, vector<16xf32>,
        %get3A_640 = vector.shape_cast %get3A_639 : vector<16xf32> to vector<16xf32>
        %ge3A_641 = arith.cmpf oge, %get3A_640, %broadcast_in_dim3A_524 : vector<16xf32>
        %select_n3A_642 = arith.select %ge3A_641, %broadcast_in_dim3A_50, %broadcast_in_dim3A_52 : vector<16xi1>, vector<16xi32>
        %add3A_643 = arith.addi %add3A_632, %select_n3A_642 : vector<16xi32>
        %add3A_644 = arith.constant 112 : i32
        %add3A_645 = arith.addi %mul3A_567, %add3A_644 : i32
        %get3A_646 = arith.constant 0 : i32
        %get3A_647 = tpu.memref_slice %arg7[%scan3A_337, %get3A_646] : memref<2x8192xf32, #tpu.memory_space<vmem>> -> memref<1x8192xf32, #tpu.memory_space<vmem>>
        %get3A_648 = tpu.memref_squeeze %get3A_647 : memref<1x8192xf32, #tpu.memory_space<vmem>> -> memref<8192xf32, #tpu.memory_space<vmem>>
        %get3A_649 = arith.index_cast %add3A_645 : i32 to index
        %get3A_650 = tpu.vector_load %get3A_648[%get3A_649] {strides = array<i32>} : memref<8192xf32, #tpu.memory_space<vmem>>, vector<16xf32>,
        %get3A_651 = vector.shape_cast %get3A_650 : vector<16xf32> to vector<16xf32>
        %ge3A_652 = arith.cmpf oge, %get3A_651, %broadcast_in_dim3A_524 : vector<16xf32>
        %select_n3A_653 = arith.select %ge3A_652, %broadcast_in_dim3A_50, %broadcast_in_dim3A_52 : vector<16xi1>, vector<16xi32>
        %add3A_654 = arith.addi %add3A_643, %select_n3A_653 : vector<16xi32>
        scf.yield %add3A_654 : vector<16xi32>
      }
      %scan3A_530 = arith.constant 64 : i32
      %xor3A_531 = arith.constant 8 : i32
      %xor3A_532 = vector.broadcast %xor3A_531 : i32 to vector<16xi32>
      %xor3A_533 = arith.xori %iota3A, %xor3A_532 : vector<16xi32>
      %broadcast_in_dim3A_534 = vector.shape_cast %xor3A_533 : vector<16xi32> to vector<16x1xi32>
      %gather3A_535 = vector.shape_cast %broadcast_in_dim3A_534 : vector<16x1xi32> to vector<16xi32>
      %gather3A_536 = tpu.dynamic_gather %scan3A_529[%gather3A_535] in [0] : vector<16xi32>, vector<16xi32> -> vector<16xi32>
      %add3A_537 = arith.addi %scan3A_529, %gather3A_536 : vector<16xi32>
      %xor3A_538 = arith.constant 4 : i32
      %xor3A_539 = vector.broadcast %xor3A_538 : i32 to vector<16xi32>
      %xor3A_540 = arith.xori %iota3A, %xor3A_539 : vector<16xi32>
      %broadcast_in_dim3A_541 = vector.shape_cast %xor3A_540 : vector<16xi32> to vector<16x1xi32>
      %gather3A_542 = vector.shape_cast %broadcast_in_dim3A_541 : vector<16x1xi32> to vector<16xi32>
      %gather3A_543 = tpu.dynamic_gather %add3A_537[%gather3A_542] in [0] : vector<16xi32>, vector<16xi32> -> vector<16xi32>
      %add3A_544 = arith.addi %add3A_537, %gather3A_543 : vector<16xi32>
      %xor3A_545 = arith.constant 2 : i32
      %xor3A_546 = vector.broadcast %xor3A_545 : i32 to vector<16xi32>
      %xor3A_547 = arith.xori %iota3A, %xor3A_546 : vector<16xi32>
      %broadcast_in_dim3A_548 = vector.shape_cast %xor3A_547 : vector<16xi32> to vector<16x1xi32>
      %gather3A_549 = vector.shape_cast %broadcast_in_dim3A_548 : vector<16x1xi32> to vector<16xi32>
      %gather3A_550 = tpu.dynamic_gather %add3A_544[%gather3A_549] in [0] : vector<16xi32>, vector<16xi32> -> vector<16xi32>
      %add3A_551 = arith.addi %add3A_544, %gather3A_550 : vector<16xi32>
      %xor3A_552 = arith.constant 1 : i32
      %xor3A_553 = vector.broadcast %xor3A_552 : i32 to vector<16xi32>
      %xor3A_554 = arith.xori %iota3A, %xor3A_553 : vector<16xi32>
      %broadcast_in_dim3A_555 = vector.shape_cast %xor3A_554 : vector<16xi32> to vector<16x1xi32>
      %gather3A_556 = vector.shape_cast %broadcast_in_dim3A_555 : vector<16x1xi32> to vector<16xi32>
      %gather3A_557 = tpu.dynamic_gather %add3A_551[%gather3A_556] in [0] : vector<16xi32>, vector<16xi32> -> vector<16xi32>
      %add3A_558 = arith.addi %add3A_551, %gather3A_557 : vector<16xi32>
      %slice3A_559 = vector.extract_strided_slice %add3A_558 {offsets = [0], sizes = [1], strides = [1]} : vector<16xi32> to vector<1xi32>
      %squeeze3A_560 = vector.extract %slice3A_559[0] : i32 from vector<1xi32>
      %ge3A = arith.constant 163 : i32
      %ge3A_561 = arith.cmpi sge, %squeeze3A_560, %ge3A : i32
      %select_n3A_562 = arith.select %ge3A_561, %add3A_522, %scan3A_518 : i32
      %select_n3A_563 = arith.select %ge3A_561, %scan3A_519, %add3A_522 : i32
      scf.yield %select_n3A_562, %select_n3A_563 : i32, i32
    }
    %scan3A_344 = arith.constant 15 : i32
    %bitcast_convert_type3A_345 = arith.bitcast %scan3A_343#0 : i32 to f32
    %broadcast_in_dim3A_346 = vector.broadcast %bitcast_convert_type3A_345 : f32 to vector<16xf32>
    %bitcast_convert_type3A_347 = arith.bitcast %scan3A_343#1 : i32 to f32
    %broadcast_in_dim3A_348 = vector.broadcast %bitcast_convert_type3A_347 : f32 to vector<16xf32>
    %scan3A_349 = arith.constant 1 : i32
    %scan3A_350 = arith.constant 0 : i32
    %scan3A_351 = arith.constant 64 : i32
    %scan3A_352 = arith.addi %scan3A_350, %scan3A_351 : i32
    %scan3A_353 = arith.constant 1 : i32
    %scan3A_354:4 = scf.for %scan3A_517 = %scan3A_350 to %scan3A_352 step %scan3A_353 iter_args(%scan3A_518 = %broadcast_in_dim3A_54, %scan3A_519 = %broadcast_in_dim3A_52, %scan3A_520 = %broadcast_in_dim3A_54, %scan3A_521 = %broadcast_in_dim3A_52) -> (vector<16xf32>, vector<16xi32>, vector<16xf32>, vector<16xi32>)  : i32 {
      %mul3A_522 = arith.constant 128 : i32
      %mul3A_523 = arith.muli %scan3A_517, %mul3A_522 : i32
      %add3A_524 = arith.constant 0 : i32
      %add3A_525 = arith.addi %mul3A_523, %add3A_524 : i32
      %get3A = arith.constant 0 : i32
      %get3A_526 = tpu.memref_slice %arg7[%scan3A_349, %get3A] : memref<2x8192xf32, #tpu.memory_space<vmem>> -> memref<1x8192xf32, #tpu.memory_space<vmem>>
      %get3A_527 = tpu.memref_squeeze %get3A_526 : memref<1x8192xf32, #tpu.memory_space<vmem>> -> memref<8192xf32, #tpu.memory_space<vmem>>
      %get3A_528 = arith.index_cast %add3A_525 : i32 to index
      %get3A_529 = tpu.vector_load %get3A_527[%get3A_528] {strides = array<i32>} : memref<8192xf32, #tpu.memory_space<vmem>>, vector<16xf32>,
      %get3A_530 = vector.shape_cast %get3A_529 : vector<16xf32> to vector<16xf32>
      %ge3A = arith.cmpf oge, %get3A_530, %broadcast_in_dim3A_346 : vector<16xf32>
      %ge3A_531 = arith.cmpf oge, %get3A_530, %broadcast_in_dim3A_348 : vector<16xf32>
      %select_n3A_532 = arith.select %ge3A_531, %get3A_530, %broadcast_in_dim3A_54 : vector<16xi1>, vector<16xf32>
      %add3A_533 = arith.addf %scan3A_518, %select_n3A_532 : vector<16xf32>
      %select_n3A_534 = arith.select %ge3A_531, %broadcast_in_dim3A_50, %broadcast_in_dim3A_52 : vector<16xi1>, vector<16xi32>
      %add3A_535 = arith.addi %scan3A_519, %select_n3A_534 : vector<16xi32>
      %select_n3A_536 = arith.select %ge3A, %get3A_530, %broadcast_in_dim3A_54 : vector<16xi1>, vector<16xf32>
      %add3A_537 = arith.addf %scan3A_520, %select_n3A_536 : vector<16xf32>
      %select_n3A_538 = arith.select %ge3A, %broadcast_in_dim3A_50, %broadcast_in_dim3A_52 : vector<16xi1>, vector<16xi32>
      %add3A_539 = arith.addi %scan3A_521, %select_n3A_538 : vector<16xi32>
      %add3A_540 = arith.constant 16 : i32
      %add3A_541 = arith.addi %mul3A_523, %add3A_540 : i32
      %get3A_542 = arith.constant 0 : i32
      %get3A_543 = tpu.memref_slice %arg7[%scan3A_349, %get3A_542] : memref<2x8192xf32, #tpu.memory_space<vmem>> -> memref<1x8192xf32, #tpu.memory_space<vmem>>
      %get3A_544 = tpu.memref_squeeze %get3A_543 : memref<1x8192xf32, #tpu.memory_space<vmem>> -> memref<8192xf32, #tpu.memory_space<vmem>>
      %get3A_545 = arith.index_cast %add3A_541 : i32 to index
      %get3A_546 = tpu.vector_load %get3A_544[%get3A_545] {strides = array<i32>} : memref<8192xf32, #tpu.memory_space<vmem>>, vector<16xf32>,
      %get3A_547 = vector.shape_cast %get3A_546 : vector<16xf32> to vector<16xf32>
      %ge3A_548 = arith.cmpf oge, %get3A_547, %broadcast_in_dim3A_346 : vector<16xf32>
      %ge3A_549 = arith.cmpf oge, %get3A_547, %broadcast_in_dim3A_348 : vector<16xf32>
      %select_n3A_550 = arith.select %ge3A_549, %get3A_547, %broadcast_in_dim3A_54 : vector<16xi1>, vector<16xf32>
      %add3A_551 = arith.addf %add3A_533, %select_n3A_550 : vector<16xf32>
      %select_n3A_552 = arith.select %ge3A_549, %broadcast_in_dim3A_50, %broadcast_in_dim3A_52 : vector<16xi1>, vector<16xi32>
      %add3A_553 = arith.addi %add3A_535, %select_n3A_552 : vector<16xi32>
      %select_n3A_554 = arith.select %ge3A_548, %get3A_547, %broadcast_in_dim3A_54 : vector<16xi1>, vector<16xf32>
      %add3A_555 = arith.addf %add3A_537, %select_n3A_554 : vector<16xf32>
      %select_n3A_556 = arith.select %ge3A_548, %broadcast_in_dim3A_50, %broadcast_in_dim3A_52 : vector<16xi1>, vector<16xi32>
      %add3A_557 = arith.addi %add3A_539, %select_n3A_556 : vector<16xi32>
      %add3A_558 = arith.constant 32 : i32
      %add3A_559 = arith.addi %mul3A_523, %add3A_558 : i32
      %get3A_560 = arith.constant 0 : i32
      %get3A_561 = tpu.memref_slice %arg7[%scan3A_349, %get3A_560] : memref<2x8192xf32, #tpu.memory_space<vmem>> -> memref<1x8192xf32, #tpu.memory_space<vmem>>
      %get3A_562 = tpu.memref_squeeze %get3A_561 : memref<1x8192xf32, #tpu.memory_space<vmem>> -> memref<8192xf32, #tpu.memory_space<vmem>>
      %get3A_563 = arith.index_cast %add3A_559 : i32 to index
      %get3A_564 = tpu.vector_load %get3A_562[%get3A_563] {strides = array<i32>} : memref<8192xf32, #tpu.memory_space<vmem>>, vector<16xf32>,
      %get3A_565 = vector.shape_cast %get3A_564 : vector<16xf32> to vector<16xf32>
      %ge3A_566 = arith.cmpf oge, %get3A_565, %broadcast_in_dim3A_346 : vector<16xf32>
      %ge3A_567 = arith.cmpf oge, %get3A_565, %broadcast_in_dim3A_348 : vector<16xf32>
      %select_n3A_568 = arith.select %ge3A_567, %get3A_565, %broadcast_in_dim3A_54 : vector<16xi1>, vector<16xf32>
      %add3A_569 = arith.addf %add3A_551, %select_n3A_568 : vector<16xf32>
      %select_n3A_570 = arith.select %ge3A_567, %broadcast_in_dim3A_50, %broadcast_in_dim3A_52 : vector<16xi1>, vector<16xi32>
      %add3A_571 = arith.addi %add3A_553, %select_n3A_570 : vector<16xi32>
      %select_n3A_572 = arith.select %ge3A_566, %get3A_565, %broadcast_in_dim3A_54 : vector<16xi1>, vector<16xf32>
      %add3A_573 = arith.addf %add3A_555, %select_n3A_572 : vector<16xf32>
      %select_n3A_574 = arith.select %ge3A_566, %broadcast_in_dim3A_50, %broadcast_in_dim3A_52 : vector<16xi1>, vector<16xi32>
      %add3A_575 = arith.addi %add3A_557, %select_n3A_574 : vector<16xi32>
      %add3A_576 = arith.constant 48 : i32
      %add3A_577 = arith.addi %mul3A_523, %add3A_576 : i32
      %get3A_578 = arith.constant 0 : i32
      %get3A_579 = tpu.memref_slice %arg7[%scan3A_349, %get3A_578] : memref<2x8192xf32, #tpu.memory_space<vmem>> -> memref<1x8192xf32, #tpu.memory_space<vmem>>
      %get3A_580 = tpu.memref_squeeze %get3A_579 : memref<1x8192xf32, #tpu.memory_space<vmem>> -> memref<8192xf32, #tpu.memory_space<vmem>>
      %get3A_581 = arith.index_cast %add3A_577 : i32 to index
      %get3A_582 = tpu.vector_load %get3A_580[%get3A_581] {strides = array<i32>} : memref<8192xf32, #tpu.memory_space<vmem>>, vector<16xf32>,
      %get3A_583 = vector.shape_cast %get3A_582 : vector<16xf32> to vector<16xf32>
      %ge3A_584 = arith.cmpf oge, %get3A_583, %broadcast_in_dim3A_346 : vector<16xf32>
      %ge3A_585 = arith.cmpf oge, %get3A_583, %broadcast_in_dim3A_348 : vector<16xf32>
      %select_n3A_586 = arith.select %ge3A_585, %get3A_583, %broadcast_in_dim3A_54 : vector<16xi1>, vector<16xf32>
      %add3A_587 = arith.addf %add3A_569, %select_n3A_586 : vector<16xf32>
      %select_n3A_588 = arith.select %ge3A_585, %broadcast_in_dim3A_50, %broadcast_in_dim3A_52 : vector<16xi1>, vector<16xi32>
      %add3A_589 = arith.addi %add3A_571, %select_n3A_588 : vector<16xi32>
      %select_n3A_590 = arith.select %ge3A_584, %get3A_583, %broadcast_in_dim3A_54 : vector<16xi1>, vector<16xf32>
      %add3A_591 = arith.addf %add3A_573, %select_n3A_590 : vector<16xf32>
      %select_n3A_592 = arith.select %ge3A_584, %broadcast_in_dim3A_50, %broadcast_in_dim3A_52 : vector<16xi1>, vector<16xi32>
      %add3A_593 = arith.addi %add3A_575, %select_n3A_592 : vector<16xi32>
      %add3A_594 = arith.constant 64 : i32
      %add3A_595 = arith.addi %mul3A_523, %add3A_594 : i32
      %get3A_596 = arith.constant 0 : i32
      %get3A_597 = tpu.memref_slice %arg7[%scan3A_349, %get3A_596] : memref<2x8192xf32, #tpu.memory_space<vmem>> -> memref<1x8192xf32, #tpu.memory_space<vmem>>
      %get3A_598 = tpu.memref_squeeze %get3A_597 : memref<1x8192xf32, #tpu.memory_space<vmem>> -> memref<8192xf32, #tpu.memory_space<vmem>>
      %get3A_599 = arith.index_cast %add3A_595 : i32 to index
      %get3A_600 = tpu.vector_load %get3A_598[%get3A_599] {strides = array<i32>} : memref<8192xf32, #tpu.memory_space<vmem>>, vector<16xf32>,
      %get3A_601 = vector.shape_cast %get3A_600 : vector<16xf32> to vector<16xf32>
      %ge3A_602 = arith.cmpf oge, %get3A_601, %broadcast_in_dim3A_346 : vector<16xf32>
      %ge3A_603 = arith.cmpf oge, %get3A_601, %broadcast_in_dim3A_348 : vector<16xf32>
      %select_n3A_604 = arith.select %ge3A_603, %get3A_601, %broadcast_in_dim3A_54 : vector<16xi1>, vector<16xf32>
      %add3A_605 = arith.addf %add3A_587, %select_n3A_604 : vector<16xf32>
      %select_n3A_606 = arith.select %ge3A_603, %broadcast_in_dim3A_50, %broadcast_in_dim3A_52 : vector<16xi1>, vector<16xi32>
      %add3A_607 = arith.addi %add3A_589, %select_n3A_606 : vector<16xi32>
      %select_n3A_608 = arith.select %ge3A_602, %get3A_601, %broadcast_in_dim3A_54 : vector<16xi1>, vector<16xf32>
      %add3A_609 = arith.addf %add3A_591, %select_n3A_608 : vector<16xf32>
      %select_n3A_610 = arith.select %ge3A_602, %broadcast_in_dim3A_50, %broadcast_in_dim3A_52 : vector<16xi1>, vector<16xi32>
      %add3A_611 = arith.addi %add3A_593, %select_n3A_610 : vector<16xi32>
      %add3A_612 = arith.constant 80 : i32
      %add3A_613 = arith.addi %mul3A_523, %add3A_612 : i32
      %get3A_614 = arith.constant 0 : i32
      %get3A_615 = tpu.memref_slice %arg7[%scan3A_349, %get3A_614] : memref<2x8192xf32, #tpu.memory_space<vmem>> -> memref<1x8192xf32, #tpu.memory_space<vmem>>
      %get3A_616 = tpu.memref_squeeze %get3A_615 : memref<1x8192xf32, #tpu.memory_space<vmem>> -> memref<8192xf32, #tpu.memory_space<vmem>>
      %get3A_617 = arith.index_cast %add3A_613 : i32 to index
      %get3A_618 = tpu.vector_load %get3A_616[%get3A_617] {strides = array<i32>} : memref<8192xf32, #tpu.memory_space<vmem>>, vector<16xf32>,
      %get3A_619 = vector.shape_cast %get3A_618 : vector<16xf32> to vector<16xf32>
      %ge3A_620 = arith.cmpf oge, %get3A_619, %broadcast_in_dim3A_346 : vector<16xf32>
      %ge3A_621 = arith.cmpf oge, %get3A_619, %broadcast_in_dim3A_348 : vector<16xf32>
      %select_n3A_622 = arith.select %ge3A_621, %get3A_619, %broadcast_in_dim3A_54 : vector<16xi1>, vector<16xf32>
      %add3A_623 = arith.addf %add3A_605, %select_n3A_622 : vector<16xf32>
      %select_n3A_624 = arith.select %ge3A_621, %broadcast_in_dim3A_50, %broadcast_in_dim3A_52 : vector<16xi1>, vector<16xi32>
      %add3A_625 = arith.addi %add3A_607, %select_n3A_624 : vector<16xi32>
      %select_n3A_626 = arith.select %ge3A_620, %get3A_619, %broadcast_in_dim3A_54 : vector<16xi1>, vector<16xf32>
      %add3A_627 = arith.addf %add3A_609, %select_n3A_626 : vector<16xf32>
      %select_n3A_628 = arith.select %ge3A_620, %broadcast_in_dim3A_50, %broadcast_in_dim3A_52 : vector<16xi1>, vector<16xi32>
      %add3A_629 = arith.addi %add3A_611, %select_n3A_628 : vector<16xi32>
      %add3A_630 = arith.constant 96 : i32
      %add3A_631 = arith.addi %mul3A_523, %add3A_630 : i32
      %get3A_632 = arith.constant 0 : i32
      %get3A_633 = tpu.memref_slice %arg7[%scan3A_349, %get3A_632] : memref<2x8192xf32, #tpu.memory_space<vmem>> -> memref<1x8192xf32, #tpu.memory_space<vmem>>
      %get3A_634 = tpu.memref_squeeze %get3A_633 : memref<1x8192xf32, #tpu.memory_space<vmem>> -> memref<8192xf32, #tpu.memory_space<vmem>>
      %get3A_635 = arith.index_cast %add3A_631 : i32 to index
      %get3A_636 = tpu.vector_load %get3A_634[%get3A_635] {strides = array<i32>} : memref<8192xf32, #tpu.memory_space<vmem>>, vector<16xf32>,
      %get3A_637 = vector.shape_cast %get3A_636 : vector<16xf32> to vector<16xf32>
      %ge3A_638 = arith.cmpf oge, %get3A_637, %broadcast_in_dim3A_346 : vector<16xf32>
      %ge3A_639 = arith.cmpf oge, %get3A_637, %broadcast_in_dim3A_348 : vector<16xf32>
      %select_n3A_640 = arith.select %ge3A_639, %get3A_637, %broadcast_in_dim3A_54 : vector<16xi1>, vector<16xf32>
      %add3A_641 = arith.addf %add3A_623, %select_n3A_640 : vector<16xf32>
      %select_n3A_642 = arith.select %ge3A_639, %broadcast_in_dim3A_50, %broadcast_in_dim3A_52 : vector<16xi1>, vector<16xi32>
      %add3A_643 = arith.addi %add3A_625, %select_n3A_642 : vector<16xi32>
      %select_n3A_644 = arith.select %ge3A_638, %get3A_637, %broadcast_in_dim3A_54 : vector<16xi1>, vector<16xf32>
      %add3A_645 = arith.addf %add3A_627, %select_n3A_644 : vector<16xf32>
      %select_n3A_646 = arith.select %ge3A_638, %broadcast_in_dim3A_50, %broadcast_in_dim3A_52 : vector<16xi1>, vector<16xi32>
      %add3A_647 = arith.addi %add3A_629, %select_n3A_646 : vector<16xi32>
      %add3A_648 = arith.constant 112 : i32
      %add3A_649 = arith.addi %mul3A_523, %add3A_648 : i32
      %get3A_650 = arith.constant 0 : i32
      %get3A_651 = tpu.memref_slice %arg7[%scan3A_349, %get3A_650] : memref<2x8192xf32, #tpu.memory_space<vmem>> -> memref<1x8192xf32, #tpu.memory_space<vmem>>
      %get3A_652 = tpu.memref_squeeze %get3A_651 : memref<1x8192xf32, #tpu.memory_space<vmem>> -> memref<8192xf32, #tpu.memory_space<vmem>>
      %get3A_653 = arith.index_cast %add3A_649 : i32 to index
      %get3A_654 = tpu.vector_load %get3A_652[%get3A_653] {strides = array<i32>} : memref<8192xf32, #tpu.memory_space<vmem>>, vector<16xf32>,
      %get3A_655 = vector.shape_cast %get3A_654 : vector<16xf32> to vector<16xf32>
      %ge3A_656 = arith.cmpf oge, %get3A_655, %broadcast_in_dim3A_346 : vector<16xf32>
      %ge3A_657 = arith.cmpf oge, %get3A_655, %broadcast_in_dim3A_348 : vector<16xf32>
      %select_n3A_658 = arith.select %ge3A_657, %get3A_655, %broadcast_in_dim3A_54 : vector<16xi1>, vector<16xf32>
      %add3A_659 = arith.addf %add3A_641, %select_n3A_658 : vector<16xf32>
      %select_n3A_660 = arith.select %ge3A_657, %broadcast_in_dim3A_50, %broadcast_in_dim3A_52 : vector<16xi1>, vector<16xi32>
      %add3A_661 = arith.addi %add3A_643, %select_n3A_660 : vector<16xi32>
      %select_n3A_662 = arith.select %ge3A_656, %get3A_655, %broadcast_in_dim3A_54 : vector<16xi1>, vector<16xf32>
      %add3A_663 = arith.addf %add3A_645, %select_n3A_662 : vector<16xf32>
      %select_n3A_664 = arith.select %ge3A_656, %broadcast_in_dim3A_50, %broadcast_in_dim3A_52 : vector<16xi1>, vector<16xi32>
      %add3A_665 = arith.addi %add3A_647, %select_n3A_664 : vector<16xi32>
      scf.yield %add3A_659, %add3A_661, %add3A_663, %add3A_665 : vector<16xf32>, vector<16xi32>, vector<16xf32>, vector<16xi32>
    }
    %scan3A_355 = arith.constant 64 : i32
    %xor3A_356 = arith.constant 8 : i32
    %xor3A_357 = vector.broadcast %xor3A_356 : i32 to vector<16xi32>
    %xor3A_358 = arith.xori %iota3A, %xor3A_357 : vector<16xi32>
    %broadcast_in_dim3A_359 = vector.shape_cast %xor3A_358 : vector<16xi32> to vector<16x1xi32>
    %gather3A_360 = vector.shape_cast %broadcast_in_dim3A_359 : vector<16x1xi32> to vector<16xi32>
    %gather3A_361 = tpu.dynamic_gather %scan3A_354#1[%gather3A_360] in [0] : vector<16xi32>, vector<16xi32> -> vector<16xi32>
    %add3A_362 = arith.addi %scan3A_354#1, %gather3A_361 : vector<16xi32>
    %xor3A_363 = arith.constant 4 : i32
    %xor3A_364 = vector.broadcast %xor3A_363 : i32 to vector<16xi32>
    %xor3A_365 = arith.xori %iota3A, %xor3A_364 : vector<16xi32>
    %broadcast_in_dim3A_366 = vector.shape_cast %xor3A_365 : vector<16xi32> to vector<16x1xi32>
    %gather3A_367 = vector.shape_cast %broadcast_in_dim3A_366 : vector<16x1xi32> to vector<16xi32>
    %gather3A_368 = tpu.dynamic_gather %add3A_362[%gather3A_367] in [0] : vector<16xi32>, vector<16xi32> -> vector<16xi32>
    %add3A_369 = arith.addi %add3A_362, %gather3A_368 : vector<16xi32>
    %xor3A_370 = arith.constant 2 : i32
    %xor3A_371 = vector.broadcast %xor3A_370 : i32 to vector<16xi32>
    %xor3A_372 = arith.xori %iota3A, %xor3A_371 : vector<16xi32>
    %broadcast_in_dim3A_373 = vector.shape_cast %xor3A_372 : vector<16xi32> to vector<16x1xi32>
    %gather3A_374 = vector.shape_cast %broadcast_in_dim3A_373 : vector<16x1xi32> to vector<16xi32>
    %gather3A_375 = tpu.dynamic_gather %add3A_369[%gather3A_374] in [0] : vector<16xi32>, vector<16xi32> -> vector<16xi32>
    %add3A_376 = arith.addi %add3A_369, %gather3A_375 : vector<16xi32>
    %xor3A_377 = arith.constant 1 : i32
    %xor3A_378 = vector.broadcast %xor3A_377 : i32 to vector<16xi32>
    %xor3A_379 = arith.xori %iota3A, %xor3A_378 : vector<16xi32>
    %broadcast_in_dim3A_380 = vector.shape_cast %xor3A_379 : vector<16xi32> to vector<16x1xi32>
    %gather3A_381 = vector.shape_cast %broadcast_in_dim3A_380 : vector<16x1xi32> to vector<16xi32>
    %gather3A_382 = tpu.dynamic_gather %add3A_376[%gather3A_381] in [0] : vector<16xi32>, vector<16xi32> -> vector<16xi32>
    %add3A_383 = arith.addi %add3A_376, %gather3A_382 : vector<16xi32>
    %slice3A_384 = vector.extract_strided_slice %add3A_383 {offsets = [0], sizes = [1], strides = [1]} : vector<16xi32> to vector<1xi32>
    %squeeze3A_385 = vector.extract %slice3A_384[0] : i32 from vector<1xi32>
    %xor3A_386 = arith.constant 8 : i32
    %xor3A_387 = vector.broadcast %xor3A_386 : i32 to vector<16xi32>
    %xor3A_388 = arith.xori %iota3A, %xor3A_387 : vector<16xi32>
    %broadcast_in_dim3A_389 = vector.shape_cast %xor3A_388 : vector<16xi32> to vector<16x1xi32>
    %gather3A_390 = vector.shape_cast %broadcast_in_dim3A_389 : vector<16x1xi32> to vector<16xi32>
    %gather3A_391 = tpu.dynamic_gather %scan3A_354#3[%gather3A_390] in [0] : vector<16xi32>, vector<16xi32> -> vector<16xi32>
    %add3A_392 = arith.addi %scan3A_354#3, %gather3A_391 : vector<16xi32>
    %xor3A_393 = arith.constant 4 : i32
    %xor3A_394 = vector.broadcast %xor3A_393 : i32 to vector<16xi32>
    %xor3A_395 = arith.xori %iota3A, %xor3A_394 : vector<16xi32>
    %broadcast_in_dim3A_396 = vector.shape_cast %xor3A_395 : vector<16xi32> to vector<16x1xi32>
    %gather3A_397 = vector.shape_cast %broadcast_in_dim3A_396 : vector<16x1xi32> to vector<16xi32>
    %gather3A_398 = tpu.dynamic_gather %add3A_392[%gather3A_397] in [0] : vector<16xi32>, vector<16xi32> -> vector<16xi32>
    %add3A_399 = arith.addi %add3A_392, %gather3A_398 : vector<16xi32>
    %xor3A_400 = arith.constant 2 : i32
    %xor3A_401 = vector.broadcast %xor3A_400 : i32 to vector<16xi32>
    %xor3A_402 = arith.xori %iota3A, %xor3A_401 : vector<16xi32>
    %broadcast_in_dim3A_403 = vector.shape_cast %xor3A_402 : vector<16xi32> to vector<16x1xi32>
    %gather3A_404 = vector.shape_cast %broadcast_in_dim3A_403 : vector<16x1xi32> to vector<16xi32>
    %gather3A_405 = tpu.dynamic_gather %add3A_399[%gather3A_404] in [0] : vector<16xi32>, vector<16xi32> -> vector<16xi32>
    %add3A_406 = arith.addi %add3A_399, %gather3A_405 : vector<16xi32>
    %xor3A_407 = arith.constant 1 : i32
    %xor3A_408 = vector.broadcast %xor3A_407 : i32 to vector<16xi32>
    %xor3A_409 = arith.xori %iota3A, %xor3A_408 : vector<16xi32>
    %broadcast_in_dim3A_410 = vector.shape_cast %xor3A_409 : vector<16xi32> to vector<16x1xi32>
    %gather3A_411 = vector.shape_cast %broadcast_in_dim3A_410 : vector<16x1xi32> to vector<16xi32>
    %gather3A_412 = tpu.dynamic_gather %add3A_406[%gather3A_411] in [0] : vector<16xi32>, vector<16xi32> -> vector<16xi32>
    %add3A_413 = arith.addi %add3A_406, %gather3A_412 : vector<16xi32>
    %slice3A_414 = vector.extract_strided_slice %add3A_413 {offsets = [0], sizes = [1], strides = [1]} : vector<16xi32> to vector<1xi32>
    %squeeze3A_415 = vector.extract %slice3A_414[0] : i32 from vector<1xi32>
    %sub3A_416 = arith.subi %squeeze3A_415, %squeeze3A_385 : i32
    %xor3A_417 = arith.constant 8 : i32
    %xor3A_418 = vector.broadcast %xor3A_417 : i32 to vector<16xi32>
    %xor3A_419 = arith.xori %iota3A, %xor3A_418 : vector<16xi32>
    %broadcast_in_dim3A_420 = vector.shape_cast %xor3A_419 : vector<16xi32> to vector<16x1xi32>
    %gather3A_421 = vector.shape_cast %broadcast_in_dim3A_420 : vector<16x1xi32> to vector<16xi32>
    %gather3A_422 = tpu.dynamic_gather %scan3A_354#0[%gather3A_421] in [0] : vector<16xf32>, vector<16xi32> -> vector<16xf32>
    %add3A_423 = arith.addf %scan3A_354#0, %gather3A_422 : vector<16xf32>
    %xor3A_424 = arith.constant 4 : i32
    %xor3A_425 = vector.broadcast %xor3A_424 : i32 to vector<16xi32>
    %xor3A_426 = arith.xori %iota3A, %xor3A_425 : vector<16xi32>
    %broadcast_in_dim3A_427 = vector.shape_cast %xor3A_426 : vector<16xi32> to vector<16x1xi32>
    %gather3A_428 = vector.shape_cast %broadcast_in_dim3A_427 : vector<16x1xi32> to vector<16xi32>
    %gather3A_429 = tpu.dynamic_gather %add3A_423[%gather3A_428] in [0] : vector<16xf32>, vector<16xi32> -> vector<16xf32>
    %add3A_430 = arith.addf %add3A_423, %gather3A_429 : vector<16xf32>
    %xor3A_431 = arith.constant 2 : i32
    %xor3A_432 = vector.broadcast %xor3A_431 : i32 to vector<16xi32>
    %xor3A_433 = arith.xori %iota3A, %xor3A_432 : vector<16xi32>
    %broadcast_in_dim3A_434 = vector.shape_cast %xor3A_433 : vector<16xi32> to vector<16x1xi32>
    %gather3A_435 = vector.shape_cast %broadcast_in_dim3A_434 : vector<16x1xi32> to vector<16xi32>
    %gather3A_436 = tpu.dynamic_gather %add3A_430[%gather3A_435] in [0] : vector<16xf32>, vector<16xi32> -> vector<16xf32>
    %add3A_437 = arith.addf %add3A_430, %gather3A_436 : vector<16xf32>
    %xor3A_438 = arith.constant 1 : i32
    %xor3A_439 = vector.broadcast %xor3A_438 : i32 to vector<16xi32>
    %xor3A_440 = arith.xori %iota3A, %xor3A_439 : vector<16xi32>
    %broadcast_in_dim3A_441 = vector.shape_cast %xor3A_440 : vector<16xi32> to vector<16x1xi32>
    %gather3A_442 = vector.shape_cast %broadcast_in_dim3A_441 : vector<16x1xi32> to vector<16xi32>
    %gather3A_443 = tpu.dynamic_gather %add3A_437[%gather3A_442] in [0] : vector<16xf32>, vector<16xi32> -> vector<16xf32>
    %add3A_444 = arith.addf %add3A_437, %gather3A_443 : vector<16xf32>
    %slice3A_445 = vector.extract_strided_slice %add3A_444 {offsets = [0], sizes = [1], strides = [1]} : vector<16xf32> to vector<1xf32>
    %squeeze3A_446 = vector.extract %slice3A_445[0] : f32 from vector<1xf32>
    %xor3A_447 = arith.constant 8 : i32
    %xor3A_448 = vector.broadcast %xor3A_447 : i32 to vector<16xi32>
    %xor3A_449 = arith.xori %iota3A, %xor3A_448 : vector<16xi32>
    %broadcast_in_dim3A_450 = vector.shape_cast %xor3A_449 : vector<16xi32> to vector<16x1xi32>
    %gather3A_451 = vector.shape_cast %broadcast_in_dim3A_450 : vector<16x1xi32> to vector<16xi32>
    %gather3A_452 = tpu.dynamic_gather %scan3A_354#2[%gather3A_451] in [0] : vector<16xf32>, vector<16xi32> -> vector<16xf32>
    %add3A_453 = arith.addf %scan3A_354#2, %gather3A_452 : vector<16xf32>
    %xor3A_454 = arith.constant 4 : i32
    %xor3A_455 = vector.broadcast %xor3A_454 : i32 to vector<16xi32>
    %xor3A_456 = arith.xori %iota3A, %xor3A_455 : vector<16xi32>
    %broadcast_in_dim3A_457 = vector.shape_cast %xor3A_456 : vector<16xi32> to vector<16x1xi32>
    %gather3A_458 = vector.shape_cast %broadcast_in_dim3A_457 : vector<16x1xi32> to vector<16xi32>
    %gather3A_459 = tpu.dynamic_gather %add3A_453[%gather3A_458] in [0] : vector<16xf32>, vector<16xi32> -> vector<16xf32>
    %add3A_460 = arith.addf %add3A_453, %gather3A_459 : vector<16xf32>
    %xor3A_461 = arith.constant 2 : i32
    %xor3A_462 = vector.broadcast %xor3A_461 : i32 to vector<16xi32>
    %xor3A_463 = arith.xori %iota3A, %xor3A_462 : vector<16xi32>
    %broadcast_in_dim3A_464 = vector.shape_cast %xor3A_463 : vector<16xi32> to vector<16x1xi32>
    %gather3A_465 = vector.shape_cast %broadcast_in_dim3A_464 : vector<16x1xi32> to vector<16xi32>
    %gather3A_466 = tpu.dynamic_gather %add3A_460[%gather3A_465] in [0] : vector<16xf32>, vector<16xi32> -> vector<16xf32>
    %add3A_467 = arith.addf %add3A_460, %gather3A_466 : vector<16xf32>
    %xor3A_468 = arith.constant 1 : i32
    %xor3A_469 = vector.broadcast %xor3A_468 : i32 to vector<16xi32>
    %xor3A_470 = arith.xori %iota3A, %xor3A_469 : vector<16xi32>
    %broadcast_in_dim3A_471 = vector.shape_cast %xor3A_470 : vector<16xi32> to vector<16x1xi32>
    %gather3A_472 = vector.shape_cast %broadcast_in_dim3A_471 : vector<16x1xi32> to vector<16xi32>
    %gather3A_473 = tpu.dynamic_gather %add3A_467[%gather3A_472] in [0] : vector<16xf32>, vector<16xi32> -> vector<16xf32>
    %add3A_474 = arith.addf %add3A_467, %gather3A_473 : vector<16xf32>
    %slice3A_475 = vector.extract_strided_slice %add3A_474 {offsets = [0], sizes = [1], strides = [1]} : vector<16xf32> to vector<1xf32>
    %squeeze3A_476 = vector.extract %slice3A_475[0] : f32 from vector<1xf32>
    %sub3A_477 = arith.subf %squeeze3A_476, %squeeze3A_446 : f32
    %sub3A_478 = arith.constant 163 : i32
    %sub3A_479 = arith.subi %sub3A_478, %squeeze3A_385 : i32
    %convert_element_type3A_480 = arith.sitofp %sub3A_479 : i32 to f32
    %eq3A_481 = arith.constant 4 : i32
    %eq3A_482 = vector.broadcast %eq3A_481 : i32 to vector<16xi32>
    %eq3A_483 = arith.cmpi eq, %iota3A, %eq3A_482 : vector<16xi32>
    %jit3A_484 = arith.constant 0.000000e+00 : f32
    %broadcast_in_dim3A_485 = vector.broadcast %squeeze3A_446 : f32 to vector<16xf32>
    %broadcast_in_dim3A_486 = vector.broadcast %jit3A_484 : f32 to vector<16xf32>
    %select_n3A_487 = arith.select %eq3A_483, %broadcast_in_dim3A_485, %broadcast_in_dim3A_486 : vector<16xi1>, vector<16xf32>
    %add3A_488 = arith.addf %add3A_303, %select_n3A_487 : vector<16xf32>
    %eq3A_489 = arith.constant 5 : i32
    %eq3A_490 = vector.broadcast %eq3A_489 : i32 to vector<16xi32>
    %eq3A_491 = arith.cmpi eq, %iota3A, %eq3A_490 : vector<16xi32>
    %jit3A_492 = arith.constant 0.000000e+00 : f32
    %broadcast_in_dim3A_493 = vector.broadcast %convert_element_type3A_480 : f32 to vector<16xf32>
    %broadcast_in_dim3A_494 = vector.broadcast %jit3A_492 : f32 to vector<16xf32>
    %select_n3A_495 = arith.select %eq3A_491, %broadcast_in_dim3A_493, %broadcast_in_dim3A_494 : vector<16xi1>, vector<16xf32>
    %add3A_496 = arith.addf %add3A_488, %select_n3A_495 : vector<16xf32>
    %eq3A_497 = arith.constant 6 : i32
    %eq3A_498 = vector.broadcast %eq3A_497 : i32 to vector<16xi32>
    %eq3A_499 = arith.cmpi eq, %iota3A, %eq3A_498 : vector<16xi32>
    %jit3A_500 = arith.constant 0.000000e+00 : f32
    %broadcast_in_dim3A_501 = vector.broadcast %sub3A_477 : f32 to vector<16xf32>
    %broadcast_in_dim3A_502 = vector.broadcast %jit3A_500 : f32 to vector<16xf32>
    %select_n3A_503 = arith.select %eq3A_499, %broadcast_in_dim3A_501, %broadcast_in_dim3A_502 : vector<16xi1>, vector<16xf32>
    %add3A_504 = arith.addf %add3A_496, %select_n3A_503 : vector<16xf32>
    %eq3A_505 = arith.constant 7 : i32
    %eq3A_506 = vector.broadcast %eq3A_505 : i32 to vector<16xi32>
    %eq3A_507 = arith.cmpi eq, %iota3A, %eq3A_506 : vector<16xi32>
    %convert_element_type3A_508 = arith.sitofp %sub3A_416 : i32 to f32
    %jit3A_509 = arith.constant 0.000000e+00 : f32
    %broadcast_in_dim3A_510 = vector.broadcast %convert_element_type3A_508 : f32 to vector<16xf32>
    %broadcast_in_dim3A_511 = vector.broadcast %jit3A_509 : f32 to vector<16xf32>
    %select_n3A_512 = arith.select %eq3A_507, %broadcast_in_dim3A_510, %broadcast_in_dim3A_511 : vector<16xi1>, vector<16xf32>
    %add3A_513 = arith.addf %add3A_504, %select_n3A_512 : vector<16xf32>
    %swap3A = arith.constant 0 : index
    %swap3A_514 = tpu.vector_load %arg8[%swap3A] {strides = array<i32>} : memref<16xf32, #tpu.memory_space<vmem>>, vector<16xf32>,
    %swap3A_515 = vector.shape_cast %swap3A_514 : vector<16xf32> to vector<16xf32>
    %swap3A_516 = vector.shape_cast %add3A_513 : vector<16xf32> to vector<16xf32>
    tpu.vector_store %arg8[%swap3A], %swap3A_516 {strides = array<i32>} : memref<16xf32, #tpu.memory_space<vmem>>, vector<16xf32>,
    "tpu.region"() ({
      %run_scoped3A = tpu.sem_alloc : memref<!tpu.dma_semaphore, #tpu.memory_space<semaphore_mem>>
      %dma_start3A_517 = arith.constant 0 : i32
      %dma_start3A_518 = tpu.memref_slice %arg4[%add3A, %dma_start3A_517] : memref<32x16xf32, #tpu.memory_space<hbm>> -> memref<1x16xf32, #tpu.memory_space<hbm>>
      %dma_start3A_519 = tpu.memref_squeeze %dma_start3A_518 : memref<1x16xf32, #tpu.memory_space<hbm>> -> memref<16xf32, #tpu.memory_space<hbm>>
      %dma_start3A_520 = arith.constant 0 : i32
      %dma_start3A_521 = tpu.memref_slice %arg4[%add3A, %dma_start3A_520] : memref<32x16xf32, #tpu.memory_space<hbm>> -> memref<1x16xf32, #tpu.memory_space<hbm>>
      %dma_start3A_522 = tpu.memref_squeeze %dma_start3A_521 : memref<1x16xf32, #tpu.memory_space<hbm>> -> memref<16xf32, #tpu.memory_space<hbm>>
      tpu.enqueue_dma source(%arg8 : memref<16xf32, #tpu.memory_space<vmem>>) target(%dma_start3A_522 : memref<16xf32, #tpu.memory_space<hbm>>) target_semaphore(%run_scoped3A : memref<!tpu.dma_semaphore, #tpu.memory_space<semaphore_mem>>)
      %dma_wait3A_523 = arith.constant 0 : i32
      %dma_wait3A_524 = tpu.memref_slice %arg4[%add3A, %dma_wait3A_523] : memref<32x16xf32, #tpu.memory_space<hbm>> -> memref<1x16xf32, #tpu.memory_space<hbm>>
      %dma_wait3A_525 = tpu.memref_squeeze %dma_wait3A_524 : memref<1x16xf32, #tpu.memory_space<hbm>> -> memref<16xf32, #tpu.memory_space<hbm>>
      %dma_wait3A_526 = arith.constant 0 : i32
      %dma_wait3A_527 = tpu.memref_slice %arg4[%add3A, %dma_wait3A_526] : memref<32x16xf32, #tpu.memory_space<hbm>> -> memref<1x16xf32, #tpu.memory_space<hbm>>
      %dma_wait3A_528 = tpu.memref_squeeze %dma_wait3A_527 : memref<1x16xf32, #tpu.memory_space<hbm>> -> memref<16xf32, #tpu.memory_space<hbm>>
      tpu.wait_dma2 semaphore(%run_scoped3A : memref<!tpu.dma_semaphore, #tpu.memory_space<semaphore_mem>>) src(%arg8 : memref<16xf32, #tpu.memory_space<vmem>>) dst(%dma_wait3A_528 : memref<16xf32, #tpu.memory_space<hbm>>)
      tpu.yield
    }) : () -> ()
    return
  }
}

</mosaic_0001>

<sc_bundles>
// kernel: kernel.3.cloned.1.call-start
scs
__scs_entry_jumppad:
0x0: {  	(pc) =	sbr.rel $0x88, $3  }
0x1: {  	(tag) =	ssettag $0x0;
	lr =	simm.s32 $0x1  }
0x2: {  	[smem:$0x3F9F] =	sst lr;
	_ =	strace $0xD0000000  }
0x3: {  	_ = 	snop  }
0x4: {  	_ = 	snop  }
0x5: {  	_ = 	snop  }
0x6: {  	_ = 	snop  }
0x7: {  	_ = 	snop  }
__scs_overlays_trampoline_lowered:
0x8: {  	[smem:$0x3FAE] =	sst s0  }
0x9: {  	[smem:$0x3FAF] =	sst s1  }
0xa: {  	[smem:$0x3FB0] =	sst s2  }
0xb: {  	[smem:$0x3FB1] =	sst s3  }
0xc: {  	[smem:$0x3FB2] =	sst s4  }
0xd: {  	[smem:$0x3FB3] =	sst s5  }
0xe: {  	[smem:$0x3FB4] =	sst s6  }
0xf: {  	[smem:$0x3FB5] =	sst s7  }
0x10: {  	[smem:$0x3FB6] =	sst s8  }
0x11: {  	[smem:$0x3FB7] =	sst s9;
	s0 =	simm.s32 @!p0 $0x0  }
0x12: {  	s1 =	sld [smem:$0x3F9D];
	s0 =	simm.s32 @p0 $0x1  }
0x13: {  	[smem:$0x3FB8] =	sst s0;
	s0 =	simm.s32 @!p1 $0x0  }
0x14: {  	s2 =	sld [smem:$0x3F9C];
	s0 =	simm.s32 @p1 $0x1  }
0x15: {  	[smem:$0x3FB9] =	sst s0;
	s0 =	simm.s32 @!p2 $0x0  }
0x16: {  	s3 =	sld [smem:$0x3FDB];
	s0 =	simm.s32 @p2 $0x1  }
0x17: {  	s4 =	simm.s32 $0x1BF5;
	[smem:$0x3FBB] =	sst s0  }
0x18: {  	s0 =	sld [smem:$0x3F9E];
	_ =	swait.ge [sflag:s4], $0x0  }
0x19: {  	s7 =	sld [smem:$0x3F9F]  }
0x1a: {  	s8 =	sadd.s32 $0xFFFFE003, lr  }
0x1b: {  	s9 =	sadd.s32 $0xFFFFFEF7, lr;
	s5 =	simm.s32 $0xFFFFFFFF;
	p2 =	slt.u32 s8, $0xFFFFF086  }
0x1c: {  	p1 =	slt.u32 s9, $0xF7A;
	s5 =	simm.s32 @!p2 $0x0  }
0x1d: {  	s5 =	simm.s32 @p1 $0x1;
	p0 =	seq.s32 s7, s2  }
0x1e: {  	s7 =	smul.u32 @!p0 $0xF7A, s2;
	p2 =	seq.s32 @!p0 s5, $0x0  }
0x1f: {  	s9 =	smul.u32 $0xF7A, s1;
	s8 =	simm.s32 @!p0 $0x1BF5;
	p2 =	por !p2, p0  }
0x20: {  	[sflag:s8] =	ssyncset.s32 @!p0 $0xFFFFF086;
	s6 =	sadd.s32 @!p0 s3, s7;
	s7 =	simm.s32 @!p0 $0x108  }
0x21: {  	s3 =	sadd.s32 s3, s9;
	s6 =	sadd.s32 @!p0 $0x88, s6;
	s7 =	simm.s32 @p2 $0x1082  }
0x22: {  	[simem:s7], [sflag:s8] =	dma.local @!p0 [hbm:s6], $0xF7A  }
0x23: {  	s9 =	sor.u32 $0xD0000000, s2;
	s6 =	simm.s32 $0x108;
	_ =	swait.ge @!p0 [sflag:s8], $0x0  }
0x24: {  	s3 =	sadd.s32 $0x88, s3;
	s6 =	simm.s32 @!p1 $0x1082;
	[sflag:s4] =	ssyncset.s32 $0xFFFFF086  }
0x25: {  	[simem:s6], [sflag:s4] =	dma.local [hbm:s3], $0xF7A  }
0x26: {  	[smem:$0x3F9F] =	sst s1;
	(tag) =	ssettag s2;
	_ =	strace s9  }
0x27: {  	s1 =	sld [smem:$0x3FAF]  }
0x28: {  	s2 =	sld [smem:$0x3FB0]  }
0x29: {  	s4 =	sld [smem:$0x3FB2]  }
0x2a: {  	p0 =	seq.s32 s5, $0x0;
	s5 =	sld [smem:$0x3FB3]  }
0x2b: {  	s6 =	sld [smem:$0x3FB4]  }
0x2c: {  	s7 =	sld [smem:$0x3FB5]  }
0x2d: {  	s3 =	simm.s32 $0x108;
	s8 =	sld [smem:$0x3FB6]  }
0x2e: {  	s3 =	simm.s32 @!p0 $0x1082;
	s9 =	sld [smem:$0x3FB7]  }
0x2f: {  	lr =	sadd.s32 s0, s3;
	s0 =	sld [smem:$0x3FAE]  }
0x30: {  	s3 =	sld [smem:$0x3FB1]  }
0x31: {  	[smem:$0x3FBA] =	sst s10  }
0x32: {  	s10 =	sld [smem:$0x3FB8];
	_ =	sdelay $0x3  }
0x33: {  	p0 =	seq.s32 s10, $0x1;
	s10 =	sld [smem:$0x3FBA];
	_ =	sdelay $0x3  }
0x34: {  	[smem:$0x3FBA] =	sst s10  }
0x35: {  	s10 =	sld [smem:$0x3FB9];
	_ =	sdelay $0x3  }
0x36: {  	p1 =	seq.s32 s10, $0x1;
	s10 =	sld [smem:$0x3FBA];
	_ =	sdelay $0x3  }
0x37: {  	[smem:$0x3FBA] =	sst s10  }
0x38: {  	s10 =	sld [smem:$0x3FBB]  }
0x39: {  	_ = 	snop;
	(pc) =	sbr.ind lr, $3  }
0x3a: {  	_ = 	snop  }
0x3b: {  	_ = 	snop  }
0x3c: {  	p2 =	seq.s32 s10, $0x1;
	s10 =	sld [smem:$0x3FBA]  }
0x3d: {  	_ =	shalt  }
0x3e: {  	_ =	shalt  }
0x3f: {  	_ =	shalt  }
0x40: {  	_ =	shalt  }
0x41: {  	_ =	shalt  }
0x42: {  	_ =	shalt  }
0x43: {  	_ =	shalt  }
0x44: {  	_ =	shalt  }
0x45: {  	_ =	shalt  }
0x46: {  	_ =	shalt  }
0x47: {  	_ =	shalt  }
0x48: {  	_ =	shalt  }
0x49: {  	_ =	shalt  }
0x4a: {  	_ =	shalt  }
0x4b: {  	_ =	shalt  }
0x4c: {  	_ =	shalt  }
0x4d: {  	_ =	shalt  }
0x4e: {  	_ =	shalt  }
0x4f: {  	_ =	shalt  }
0x50: {  	_ =	shalt  }
0x51: {  	_ =	shalt  }
0x52: {  	_ =	shalt  }
0x53: {  	_ =	shalt  }
0x54: {  	_ =	shalt  }
0x55: {  	_ =	shalt  }
0x56: {  	_ =	shalt  }
0x57: {  	_ =	shalt  }
0x58: {  	_ =	shalt  }
0x59: {  	_ =	shalt  }
0x5a: {  	_ =	shalt  }
0x5b: {  	_ =	shalt  }
0x5c: {  	_ =	shalt  }
0x5d: {  	_ =	shalt  }
0x5e: {  	_ =	shalt  }
0x5f: {  	_ =	shalt  }
0x60: {  	_ =	shalt  }
0x61: {  	_ =	shalt  }
0x62: {  	_ =	shalt  }
0x63: {  	_ =	shalt  }
0x64: {  	_ =	shalt  }
0x65: {  	_ =	shalt  }
0x66: {  	_ =	shalt  }
0x67: {  	_ =	shalt  }
0x68: {  	_ =	shalt  }
0x69: {  	_ =	shalt  }
0x6a: {  	_ =	shalt  }
0x6b: {  	_ =	shalt  }
0x6c: {  	_ =	shalt  }
0x6d: {  	_ =	shalt  }
0x6e: {  	_ =	shalt  }
0x6f: {  	_ =	shalt  }
0x70: {  	_ =	shalt  }
0x71: {  	_ =	shalt  }
0x72: {  	_ =	shalt  }
0x73: {  	_ =	shalt  }
0x74: {  	_ =	shalt  }
0x75: {  	_ =	shalt  }
0x76: {  	_ =	shalt  }
0x77: {  	_ =	shalt  }
0x78: {  	_ =	shalt  }
0x79: {  	_ =	shalt  }
0x7a: {  	_ =	shalt  }
0x7b: {  	_ =	shalt  }
0x7c: {  	_ =	shalt  }
0x7d: {  	_ =	shalt  }
0x7e: {  	_ =	shalt  }
0x7f: {  	_ =	shalt  }
0x80: {  	_ =	shalt  }
0x81: {  	_ =	shalt  }
0x82: {  	_ =	shalt  }
0x83: {  	_ =	shalt  }
0x84: {  	_ =	shalt  }
0x85: {  	_ =	shalt  }
0x86: {  	_ =	shalt  }
0x87: {  	_ =	shalt  }
.Lfunc_end0:
.L_simem_size_0:
called_computation_lowered:
.L_overlay_start_0:
0x88: {  	s2 =	sld [smem:$0x3FD9]  }
0x89: {  	s3 =	sld [smem:$0x3FFE];
	_ =	sdelay $0x1  }
0x8a: {  	s1 =	srdreg.scid  }
0x8b: {  	s0 =	sand.u32 $0x1, s1  }
0x8c: {  	s17 =	sshll.u32 s0, $0xA;
	s2 =	sadd.s32 s3, s2  }
0x8d: {  	s2 =	sadd.s32 s2, s17  }
0x8e: {  	[smem:$0x3FC6] =	sst s2  }
0x8f: {  	_ = 	snop  }
0x90: {  	s2 =	sld [smem:$0x3FC9]  }
0x91: {  	s18 =	sld [smem:$0x3FC8];
	(tm) =	ssettm $0x1  }
0x92: {  	s4 =	sld [smem:$0x3FFB];
	_ =	sdelay $0x3  }
0x93: {  	_ =	strace s4  }
0x94: {  	s4 =	sld [smem:$0x3FFC];
	_ =	sdelay $0x3  }
0x95: {  	_ =	strace s4  }
0x96: {  	s4 =	sld [smem:$0x3FFD];
	_ =	sdelay $0x3  }
0x97: {  	_ =	strace s4  }
0x98: {  	_ =	strace $0x8FFFFFFF  }
0x99: {  	s19 =	sld [smem:$0x3FDB];
	_ =	sdelay $0x1  }
0x9a: {  	s5 =	simm.s32 $_scs_section_size  }
0x9b: {  	s6 =	simm.s32 $_size__tile_overlayer_lowered;
	s7 =	simm.s32 $_tile_overlayer_lowered  }
0x9c: {  	s22 =	simm.s32 $0x1BFF;
	s21 =	sshll.u32 s7, $0x1;
	s4 =	sadd.s32 s5, s19  }
0x9d: {  	s8 =	simm.s32 $0x0;
	s20 =	sshll.u32 s6, $0x1;
	s6 =	sadd.s32 s21, s4  }
0x9e: {  	[timem:s8], [sflag:s22] =	dma.local [hbm:s6], s20  }
0x9f: {  	_ =	swait.ge [sflag:s22], s20  }
0xa0: {  	s5 =	ssub.s32 $0x0, s20;
	[sflag:s22] =	ssyncset.done $0x0  }
0xa1: {  	[sflag:s22] =	ssyncadd.s32 s5;
	_ =	sdelay $0x1  }
0xa2: {  	s23 =	simm.s32 $0x1B8B  }
0xa3: {  	_ =	swait.ge [sflag:s23], $0x1  }
0xa4: {  	[sflag:s23] =	ssyncset.done $0x0  }
0xa5: {  	s25 =	simm.s32 $0x1B8E;
	s24 =	sld [smem:$0x3FFE];
	[sflag:s23] =	ssyncadd.s32 $0xFFFFFFFF  }
0xa6: {  	s26 =	simm.s32 $execute0_lowered;
	[smem:$0x3FD2] =	sst s25  }
0xa7: {  	s6 =	sshll.u32 s26, $0x1;
	_ =	strace $0x80000046;
	[dreg:$0x1] =	wrdreg $0xFFFFFFFF  }
0xa8: {  	s28 =	simm.s32 $_size_execute0_lowered;
	s4 =	sadd.s32 s4, s6;
	[dreg:$0x0] =	wrdreg $0x0  }
0xa9: {  	s6 =	sshll.u32 s28, $0x1;
	[dreg:$0x2] =	wrdreg s4  }
0xaa: {  	[dreg:$0x3] =	wrdreg s6  }
0xab: {  	[dreg:$0x4] =	wrdreg $0xC0  }
0xac: {  	_ =	task [dreg:s8], $0x5FFFF  }
0xad: {  	[dreg:$0x1] =	wrdreg $0xFFFFFFFF  }
0xae: {  	[dreg:$0x0] =	wrdreg $0x60  }
0xaf: {  	[dreg:$0x2] =	wrdreg s2  }
0xb0: {  	[dreg:$0x3] =	wrdreg s18  }
0xb1: {  	[dreg:$0x4] =	wrdreg s24  }
0xb2: {  	[dreg:$0x5] =	wrdreg $0x9  }
0xb3: {  	_ =	task.clear_ibuf [dreg:s8], $0x6FFFF;
	_ =	strace $0x90000046  }
0xb4: {  	s29 =	simm.s32 $0x9;
	_ =	strace $0x80000048  }
0xb5: {  	_ =	swait.ge [sflag:s29], $0x1  }
0xb6: {  	[sflag:s29] =	ssyncadd.s32 $0xFFFFFFFF  }
0xb7: {  	_ =	strace $0x90000048  }
0xb8: {  	_ =	sfence  }
0xb9: {  	s30 =	sld [smem:$0x0];
	_ =	sdelay $0x2  }
0xba: {  	s31 =	sshll.u32 s1, $0xD;
	s1 =	sshrl.u32 s1, $0x2  }
0xbb: {  	s3 =	sand.u32 $0x4000, s31;
	s1 =	sadd.s32 s1, s30  }
0xbc: {  	s0 =	sor.u32 s3, s0;
	s1 =	sshll.u32 s1, $0x11  }
0xbd: {  	s0 =	sor.u32 s1, s0  }
0xbe: {  	s0 =	sadd.s32 $0x8F2B, s0  }
0xbf: {  	[sflag:s0] =	ssyncadd.remote.s32 $0x1  }
0xc0: {  	_ =	sfence.sel $0xFFFF  }
0xc1: {  	[dreg:$0x0] =	wrdreg $0xFFFFFFFF;
	(pc) =	sbr.abs _section_cstart, $3  }
0xc2: {  	[dreg:$0x1] =	wrdreg $0xFFFFFFFF  }
0xc3: {  	_ =	task.clear_ibuf [dreg:s8], $0x2FFFF;
	_ =	strace $0x9FFFFFFF  }
0xc4: {  	(tm) =	ssettm $0x7FFFFFFF  }
0xc5: {  	_ =	shalt  }
tec
execute0_lowered:
.L_overlay_start_1:
0x0: {  	(tag) =	ssettag $0x1  }
0x1: {  	s5 =	rddreg [dreg:$0x0]  }
0x2: {  	v0 =	vimm.s32 $0xFEDCBA98;
	v1 =	vimm.s32 $0x76543210;
	s6 =	rddreg [dreg:$0x1]  }
0x3: {  	v3 =	vimm.s32 $0x32107654;
	v4 =	vimm.s32 $0xDCFE98BA;
	s1 =	srdreg.scid;
	s0 =	stileid.u32;
	v5 =	vimm.s32 $0x54761032  }
0x4: {  	s7 =	rddreg [dreg:$0x2];
	v6 =	vimm.s32 $0xEFCDAB89;
	v7 =	vimm.s32 $0x67452301;
	s2 =	simm.s32 $0x0;
	s11 =	simm.s32 $0x3;
	v0 =	vunpack.c.l.s4.s8 v0  }
0x5: {  	s12 =	simm.s32 $0x4;
	s13 =	simm.s32 $0xC000;
	s14 =	simm.s32 $0x5;
	v1 =	vunpack.c.l.s4.s8 v1;
	v3 =	vunpack.c.l.s4.s8 v3;
	v4 =	vunpack.c.l.s4.s8 v4  }
0x6: {  	s15 =	simm.s32 $0x0;
	s3 =	sand.u32 $0x1, s1;
	s1 =	rddreg [dreg:$0x3];
	v5 =	vunpack.c.l.s4.s8 v5;
	v2 =	vunpack.c.0.s8.s32 v0;
	v0 =	vimm.s32 $0xBA98FEDC  }
0x7: {  	s4 =	sshll.u32 s0, $0x1;
	v6 =	vunpack.c.l.s4.s8 v6;
	v7 =	vunpack.c.l.s4.s8 v7;
	s9 =	sshll.u32 s0, $0xC;
	[smem:$0x7FF] =	sst s2;
	v0 =	vunpack.c.l.s4.s8 v0  }
0x8: {  	s8 =	sor.u32 s3, s4;
	s3 =	ssub.s32 $0x2, s3;
	_ =	strace $0x80000047;
	v3 =	vunpack.c.0.s8.s32 v3;
	v4 =	vunpack.c.0.s8.s32 v4;
	v5 =	vunpack.c.0.s8.s32 v5  }
0x9: {  	s4 =	sshll.u32 s8, $0x5;
	s10 =	sshrl.u32 s3, $0x1;
	v6 =	vunpack.c.0.s8.s32 v6;
	v7 =	vunpack.c.0.s8.s32 v7;
	s8 =	sshll.u32 s8, $0x4;
	v0 =	vunpack.c.0.s8.s32 v0  }
0xa: {  	v8 =	vunpack.c.0.s8.s32 v1;
	s4 =	sor.u32 s9, s4;
	s30 =	ssub.s32 s3, s10;
	s7 =	sadd.s32 s7, s8;
	v1 =	vcombine.low v5, v4  }
0xb: {  	s9 =	simm.s32 $0x1;
	s31 =	sand.u32 $0xE060, s4;
	s8 =	smax.u32 s30, $0x1;
	v0 =	vcombine.low v3, v0;
	v3 =	vand.u32 $0xF, v2;
	v2 =	vcombine.low v7, v6  }
0xc: {  	v4 =	vimm.s32 $0x0;
	s3 =	sadd.s32 s5, s31;
	s4 =	sadd.s32 s6, s31;
	s10 =	sor.u32 $0x10, s31;
	v6 =	vand.u32 $0xF, v1  }
0xd: {  	s5 =	sadd.s32 s5, s10;
	s6 =	sadd.s32 s6, s10;
	s10 =	simm.s32 $0x2;
	v3 =	vcombine.low v3, v8;
	v5 =	vand.u32 $0xF, v0;
	v7 =	vand.u32 $0xF, v2  }
.LBB2_1:
0xe: {  	s16 =	simm.s32 $0x80  }
0xf: {  	s19 =	sadd.s32 $0x0, s3;
	s17 =	simm.s32 $0x100;
	s18 =	simm.s32 $0x0  }
.LBB2_2:
0x10: {  	[tilespmem:s18], [sflag:$0x1] =	stream.linear.gather [hbm4b:s19+s2], $0x80, $0x38;
	[tilespmem:$0xC080] =	vst v63  }
0x11: {  	s19 =	smov.u32 s16;
	s18 =	smov.u32 s17;
	p0 =	sne.s32 s16, $0x1F80  }
.Ltmp0:
0x12: {  	s16 =	sadd.s32 $0x80, s16;
	(pc) =	sbr.rel @p0 .LBB2_2-.Ltmp0, $2  }
0x13: {  	_ =	sdelay $0x2  }
0x14: {  	s17 =	sadd.s32 $0x100, s17;
	s19 =	sadd.s32 s19, s3  }
0x15: {  	[tilespmem:s18], [sflag:$0x1] =	stream.linear.gather [hbm4b:s19+s2], $0x80, $0x38;
	[tilespmem:$0xC080] =	vst v63  }
0x16: {  	s16 =	simm.s32 $0x4000  }
0x17: {  	s17 =	simm.s32 $0x80;
	s19 =	sadd.s32 $0x0, s4;
	s18 =	simm.s32 $0x4100  }
.LBB2_4:
0x18: {  	[tilespmem:s16], [sflag:$0x2] =	stream.linear.gather [hbm4b:s19+s2], $0x80, $0x38;
	[tilespmem:$0xC080] =	vst v63  }
0x19: {  	s19 =	smov.u32 s17;
	s16 =	smov.u32 s18;
	p0 =	sne.s32 s17, $0x1F80  }
.Ltmp1:
0x1a: {  	s17 =	sadd.s32 $0x80, s17;
	(pc) =	sbr.rel @p0 .LBB2_4-.Ltmp1, $2  }
0x1b: {  	_ =	sdelay $0x2  }
0x1c: {  	s18 =	sadd.s32 $0x100, s18;
	s19 =	sadd.s32 s19, s4  }
0x1d: {  	[tilespmem:s16], [sflag:$0x2] =	stream.linear.gather [hbm4b:s19+s2], $0x80, $0x38;
	[tilespmem:$0xC080] =	vst v63  }
0x1e: {  	s16 =	simm.s32 $0x80  }
0x1f: {  	s17 =	simm.s32 $0x80;
	s19 =	sadd.s32 $0x0, s5;
	s18 =	simm.s32 $0x180  }
.LBB2_6:
0x20: {  	[tilespmem:s16], [sflag:$0x3] =	stream.linear.gather [hbm4b:s19+s2], $0x80, $0x38;
	[tilespmem:$0xC080] =	vst v63  }
0x21: {  	s19 =	smov.u32 s17;
	s16 =	smov.u32 s18;
	p0 =	sne.s32 s17, $0x1F80  }
.Ltmp2:
0x22: {  	s17 =	sadd.s32 $0x80, s17;
	(pc) =	sbr.rel @p0 .LBB2_6-.Ltmp2, $2  }
0x23: {  	_ =	sdelay $0x2  }
0x24: {  	s18 =	sadd.s32 $0x100, s18;
	s19 =	sadd.s32 s19, s5  }
0x25: {  	[tilespmem:s16], [sflag:$0x3] =	stream.linear.gather [hbm4b:s19+s2], $0x80, $0x38;
	[tilespmem:$0xC080] =	vst v63  }
0x26: {  	s16 =	simm.s32 $0x4080  }
0x27: {  	s17 =	simm.s32 $0x80;
	s19 =	sadd.s32 $0x0, s6;
	s18 =	simm.s32 $0x4180  }
.LBB2_8:
0x28: {  	[tilespmem:s16], [sflag:$0x4] =	stream.linear.gather [hbm4b:s19+s2], $0x80, $0x38;
	[tilespmem:$0xC080] =	vst v63  }
0x29: {  	s19 =	smov.u32 s17;
	s16 =	smov.u32 s18;
	p0 =	sne.s32 s17, $0x1F80  }
.Ltmp3:
0x2a: {  	s17 =	sadd.s32 $0x80, s17;
	(pc) =	sbr.rel @p0 .LBB2_8-.Ltmp3, $2  }
0x2b: {  	_ =	sdelay $0x2  }
0x2c: {  	s18 =	sadd.s32 $0x100, s18;
	s19 =	sadd.s32 s19, s6  }
0x2d: {  	[tilespmem:s16], [sflag:$0x4] =	stream.linear.gather [hbm4b:s19+s2], $0x80, $0x38;
	[tilespmem:$0xC080] =	vst v63  }
0x2e: {  	_ =	swait.ge [sflag:s9], $0x2000  }
0x2f: {  	[sflag:s9] =	ssyncset.done $0x0  }
0x30: {  	[sflag:s9] =	ssyncadd.s32 $0xFFFFE000  }
0x31: {  	s25 =	simm.s32 $0x0;
	_ =	swait.ge [sflag:s10], $0x2000  }
0x32: {  	s17 =	sand.u32 $0x60, s25;
	s16 =	sand.u32 $0x3F00, s25;
	[sflag:s10] =	ssyncset.done $0x0  }
0x33: {  	s18 =	sor.u32 s17, s16;
	[sflag:s10] =	ssyncadd.s32 $0xFFFFE000  }
0x34: {  	v22 =	vld [tilespmem:s18+$0x0]  }
0x35: {  	v13 =	vld [tilespmem:s18+$0x10];
	_ =	sdelay $0x3  }
0x36: {  	v8 =	vand.u32 $0x7FFFFFFF, v22  }
0x37: {  	v9 =	vand.u32 $0x7FFFFFFF, v13;
	v8 =	vsub.f32 $0.0e+00, v8  }
0x38: {  	v9 =	vsub.f32 $0.0e+00, v9  }
0x39: {  	v8 =	vmul.f32 $1.442695020e+00, v8  }
0x3a: {  	v9 =	vmul.f32 $1.442695020e+00, v9  }
0x3b: {  	(erf) = vpow2.f32 v8  }
0x3c: {  	s26 =	simm.s32 $0x20;
	s28 =	simm.s32 $0x40;
	(erf) = vpow2.f32 v9  }
0x3d: {  	s16 =	sand.u32 $0x60, s26;
	s17 =	sand.u32 $0x3F00, s28  }
0x3e: {  	s17 =	sor.u32 s16, s17  }
0x3f: {  	v12 =	vld [tilespmem:s17+$0x0];
	_ =	sdelay $0x3  }
0x40: {  	v11 =	vld [tilespmem:s17+$0x10]  }
0x41: {  	v8 =	vand.u32 $0x7FFFFFFF, v12;
	v23 =	vpop (erf)  }
0x42: {  	v8 =	vsub.f32 $0.0e+00, v8;
	v15 =	vpop (erf)  }
0x43: {  	v10 =	vmul.f32 $1.741407810e-02, v23;
	v14 =	vmul.f32 $1.741407810e-02, v15  }
0x44: {  	v8 =	vmul.f32 $1.442695020e+00, v8  }
0x45: {  	v9 =	vand.u32 $0x7FFFFFFF, v11;
	v10 =	vsub.f32 $8.269123730e-02, v10;
	v14 =	vsub.f32 $8.269123730e-02, v14  }
0x46: {  	v9 =	vsub.f32 $0.0e+00, v9;
	(erf) = vpow2.f32 v8  }
0x47: {  	v8 =	vmul.f32 v10, v23;
	v10 =	vmul.f32 v14, v15  }
0x48: {  	s29 =	simm.s32 $0x40;
	s30 =	simm.s32 $0x80;
	v9 =	vmul.f32 $1.442695020e+00, v9  }
0x49: {  	s19 =	sand.u32 $0x3F00, s30;
	s16 =	sand.u32 $0x60, s29;
	v8 =	vadd.f32 $-1.903543320e-01, v8;
	v14 =	vadd.f32 $-1.903543320e-01, v10  }
0x4a: {  	s16 =	sor.u32 s16, s19;
	(erf) = vpow2.f32 v9  }
0x4b: {  	v10 =	vld [tilespmem:s16+$0x0];
	v8 =	vmul.f32 v8, v23;
	v14 =	vmul.f32 v14, v15;
	_ =	sdelay $0x1  }
0x4c: {  	v9 =	vld [tilespmem:s16+$0x10];
	v16 =	vadd.f32 $3.157473210e-01, v8;
	v19 =	vadd.f32 $3.157473210e-01, v14;
	_ =	sdelay $0x1  }
0x4d: {  	v20 =	vmul.f32 v16, v23;
	v19 =	vmul.f32 v19, v15  }
0x4e: {  	v16 =	vand.u32 $0x7FFFFFFF, v10  }
0x4f: {  	v27 =	vld [tilespmem:s18+$0x4000];
	v14 =	vpop (erf);
	v20 =	vadd.f32 $-4.973732230e-01, v20;
	v19 =	vadd.f32 $-4.973732230e-01, v19  }
0x50: {  	v18 =	vmax.f32 v22, $0.0e+00;
	v21 =	vand.u32 $0x7FFFFFFF, v9;
	v25 =	vmul.f32 $1.741407810e-02, v14  }
0x51: {  	v24 =	vsub.f32 $0.0e+00, v16;
	v16 =	vpop (erf);
	v20 =	vmul.f32 v20, v23;
	v19 =	vmul.f32 v19, v15  }
0x52: {  	v21 =	vsub.f32 $0.0e+00, v21;
	v26 =	vmul.f32 $1.741407810e-02, v16;
	v25 =	vsub.f32 $8.269123730e-02, v25  }
0x53: {  	v24 =	vmul.f32 $1.442695020e+00, v24;
	v28 =	vadd.f32 $9.998477100e-01, v20;
	v20 =	vadd.f32 $9.998477100e-01, v19;
	v19 =	vld [tilespmem:s18+$0x4010]  }
0x54: {  	v22 =	vmul.f32 v27, v22;
	v21 =	vmul.f32 $1.442695020e+00, v21;
	v26 =	vsub.f32 $8.269123730e-02, v26  }
0x55: {  	s31 =	simm.s32 $0x60;
	s20 =	simm.s32 $0xC0;
	(erf) = vpow2.f32 v24;
	v25 =	vmul.f32 v25, v14  }
0x56: {  	s21 =	sand.u32 $0x3F00, s20;
	s19 =	sand.u32 $0x60, s31;
	v17 =	vmax.f32 v13, $0.0e+00;
	(erf) = vpow2.f32 v21;
	v24 =	vmul.f32 v26, v16  }
0x57: {  	s19 =	sor.u32 s19, s21;
	s21 =	simm.s32 $0x80;
	v8 =	vimm.f32 $0.0e+00;
	v21 =	vadd.f32 $-1.903543320e-01, v25;
	v23 =	vmul.f32 v28, v23  }
.LBB2_10:
0x58: {  	p0 =	sne.s32 s21, $0x1FE0;
	v24 =	vadd.f32 $-1.903543320e-01, v24;
	v19 =	vmul.f32 v19, v13;
	v20 =	vmul.f32 v20, v15;
	v13 =	vmovc v11;
	v11 =	vmovc v9;
	v9 =	vld [tilespmem:s19+$0x10]  }
0x59: {  	v15 =	vmovc v16;
	v25 =	vld [tilespmem:s19+$0x0];
	v21 =	vmul.f32 v21, v14;
	v18 =	vsub.f32 v18, v22;
	v22 =	vadd.f32 $1.472065040e-06, v23;
	v23 =	vmovc v14  }
0x5a: {  	v14 =	vmul.f32 v24, v15;
	v16 =	vsub.f32 v17, v19;
	v19 =	vadd.f32 $1.472065040e-06, v20  }
0x5b: {  	v17 =	vmax.f32 v13, $0.0e+00;
	v20 =	vadd.f32 $3.157473210e-01, v21;
	v21 =	vadd.f32 v22, v18  }
0x5c: {  	v18 =	vmax.f32 v12, $0.0e+00;
	v22 =	vadd.f32 $3.157473210e-01, v14;
	v26 =	vadd.f32 v19, v16  }
0x5d: {  	v19 =	vand.u32 $0x7FFFFFFF, v9;
	v20 =	vmul.f32 v20, v23;
	[tilespmem:s18+$0x8000] =	vst v21;
	v8 =	vmax.f32 v8, v21  }
0x5e: {  	v21 =	vand.u32 $0x7FFFFFFF, v25;
	v14 =	vpop (erf);
	v22 =	vmul.f32 v22, v15;
	[tilespmem:s18+$0x8010] =	vst v26;
	v8 =	vmax.f32 v8, v26;
	s18 =	smov.u32 s17;
	s17 =	smov.u32 s16;
	s16 =	smov.u32 s19  }
0x5f: {  	v21 =	vsub.f32 $0.0e+00, v21;
	v16 =	vpop (erf)  }
0x60: {  	v24 =	vmul.f32 $1.741407810e-02, v14;
	v20 =	vadd.f32 $-4.973732230e-01, v20;
	v27 =	vmul.f32 $1.741407810e-02, v16  }
0x61: {  	v26 =	vsub.f32 $0.0e+00, v19;
	v28 =	vld [tilespmem:s18+$0x4000];
	v22 =	vadd.f32 $-4.973732230e-01, v22;
	v21 =	vmul.f32 $1.442695020e+00, v21  }
.Ltmp4:
0x62: {  	v24 =	vsub.f32 $8.269123730e-02, v24;
	v20 =	vmul.f32 v20, v23;
	v19 =	vld [tilespmem:s18+$0x4010];
	(pc) =	sbr.rel @p0 .LBB2_10-.Ltmp4, $4  }
0x63: {  	v26 =	vmul.f32 $1.442695020e+00, v26;
	v27 =	vsub.f32 $8.269123730e-02, v27;
	v22 =	vmul.f32 v22, v15  }
0x64: {  	s20 =	sadd.s32 $0x40, s20;
	(erf) = vpow2.f32 v21;
	v21 =	vmul.f32 v24, v14;
	v29 =	vadd.f32 $9.998477100e-01, v20  }
0x65: {  	s22 =	sand.u32 $0x3F00, s20;
	s19 =	sand.u32 $0x60, s21;
	(erf) = vpow2.f32 v26;
	v24 =	vmul.f32 v27, v16;
	v20 =	vadd.f32 $9.998477100e-01, v22  }
0x66: {  	s21 =	sadd.s32 $0x20, s21;
	s19 =	sor.u32 s19, s22;
	v21 =	vadd.f32 $-1.903543320e-01, v21;
	v22 =	vmul.f32 v28, v12;
	v23 =	vmul.f32 v29, v23;
	v12 =	vmovc v10;
	v10 =	vmovc v25  }
0x67: {  	v25 =	vld [tilespmem:s19+$0x10];
	v24 =	vadd.f32 $-1.903543320e-01, v24;
	v13 =	vmul.f32 v19, v13  }
0x68: {  	v15 =	vmul.f32 v20, v15;
	v19 =	vld [tilespmem:s19+$0x0];
	v20 =	vmul.f32 v21, v14;
	v18 =	vsub.f32 v18, v22  }
0x69: {  	v21 =	vadd.f32 $1.472065040e-06, v23;
	v22 =	vmul.f32 v24, v16;
	v13 =	vsub.f32 v17, v13  }
0x6a: {  	v17 =	vadd.f32 $1.472065040e-06, v15;
	v20 =	vadd.f32 $3.157473210e-01, v20  }
0x6b: {  	v15 =	vadd.f32 v21, v18;
	v18 =	vadd.f32 $3.157473210e-01, v22  }
0x6c: {  	v27 =	vmax.f32 v11, $0.0e+00;
	v13 =	vadd.f32 v17, v13;
	v20 =	vmul.f32 v20, v14  }
0x6d: {  	v17 =	vand.u32 $0x7FFFFFFF, v25;
	v21 =	vand.u32 $0x7FFFFFFF, v19;
	[tilespmem:s18+$0x8000] =	vst v15;
	v22 =	vpop (erf);
	v18 =	vmul.f32 v18, v16  }
0x6e: {  	v21 =	vsub.f32 $0.0e+00, v21;
	[tilespmem:s18+$0x8010] =	vst v13;
	v23 =	vmul.f32 $1.741407810e-02, v22;
	v24 =	vpop (erf);
	v20 =	vadd.f32 $-4.973732230e-01, v20  }
0x6f: {  	v17 =	vsub.f32 $0.0e+00, v17;
	v28 =	vld [tilespmem:s17+$0x4000];
	v26 =	vmul.f32 $1.741407810e-02, v24;
	v18 =	vadd.f32 $-4.973732230e-01, v18  }
0x70: {  	v29 =	vld [tilespmem:s17+$0x4010];
	v21 =	vmul.f32 $1.442695020e+00, v21;
	v23 =	vsub.f32 $8.269123730e-02, v23;
	v20 =	vmul.f32 v20, v14  }
0x71: {  	v17 =	vmul.f32 $1.442695020e+00, v17;
	v26 =	vsub.f32 $8.269123730e-02, v26;
	v18 =	vmul.f32 v18, v16  }
0x72: {  	(erf) = vpow2.f32 v21;
	v21 =	vmul.f32 v23, v22;
	v20 =	vadd.f32 $9.998477100e-01, v20  }
0x73: {  	(erf) = vpow2.f32 v17;
	v17 =	vmax.f32 v12, $0.0e+00;
	v23 =	vmul.f32 v26, v24  }
0x74: {  	v18 =	vadd.f32 $9.998477100e-01, v18;
	v12 =	vmul.f32 v28, v12;
	v21 =	vadd.f32 $-1.903543320e-01, v21  }
0x75: {  	v11 =	vmul.f32 v29, v11;
	v14 =	vmul.f32 v20, v14;
	v20 =	vadd.f32 $-1.903543320e-01, v23  }
0x76: {  	v16 =	vmul.f32 v18, v16;
	v12 =	vsub.f32 v17, v12;
	v18 =	vmul.f32 v21, v22  }
0x77: {  	v11 =	vsub.f32 v27, v11;
	v14 =	vadd.f32 $1.472065040e-06, v14  }
0x78: {  	v17 =	vmul.f32 v20, v24;
	v16 =	vadd.f32 $1.472065040e-06, v16;
	v18 =	vadd.f32 $3.157473210e-01, v18  }
0x79: {  	v20 =	vadd.f32 v14, v12  }
0x7a: {  	v12 =	vadd.f32 $3.157473210e-01, v17;
	v17 =	vadd.f32 v16, v11  }
0x7b: {  	v11 =	vmul.f32 v18, v22;
	[tilespmem:s17+$0x8000] =	vst v20;
	v14 =	vpop (erf)  }
0x7c: {  	v12 =	vmul.f32 v12, v24;
	[tilespmem:s17+$0x8010] =	vst v17;
	v16 =	vmul.f32 $1.741407810e-02, v14;
	v18 =	vpop (erf)  }
0x7d: {  	v11 =	vadd.f32 $-4.973732230e-01, v11;
	v23 =	vld [tilespmem:s16+$0x4000];
	v21 =	vmul.f32 $1.741407810e-02, v18  }
0x7e: {  	v26 =	vld [tilespmem:s16+$0x4010];
	v12 =	vadd.f32 $-4.973732230e-01, v12;
	v16 =	vsub.f32 $8.269123730e-02, v16  }
0x7f: {  	v11 =	vmul.f32 v11, v22;
	v21 =	vsub.f32 $8.269123730e-02, v21  }
0x80: {  	v61 =	vmax.f32 v10, $0.0e+00;
	v12 =	vmul.f32 v12, v24;
	v16 =	vmul.f32 v16, v14  }
0x81: {  	v27 =	vmax.f32 v9, $0.0e+00;
	v11 =	vadd.f32 $9.998477100e-01, v11;
	v21 =	vmul.f32 v21, v18  }
0x82: {  	v12 =	vadd.f32 $9.998477100e-01, v12;
	v16 =	vadd.f32 $-1.903543320e-01, v16;
	v10 =	vmul.f32 v23, v10  }
0x83: {  	v9 =	vmul.f32 v26, v9;
	v11 =	vmul.f32 v11, v22;
	v21 =	vadd.f32 $-1.903543320e-01, v21  }
0x84: {  	v12 =	vmul.f32 v12, v24;
	v16 =	vmul.f32 v16, v14;
	v10 =	vsub.f32 v61, v10  }
0x85: {  	v9 =	vsub.f32 v27, v9;
	v11 =	vadd.f32 $1.472065040e-06, v11;
	v21 =	vmul.f32 v21, v18  }
0x86: {  	v12 =	vadd.f32 $1.472065040e-06, v12;
	v16 =	vadd.f32 $3.157473210e-01, v16  }
0x87: {  	v10 =	vadd.f32 v11, v10;
	v11 =	vadd.f32 $3.157473210e-01, v21  }
0x88: {  	v21 =	vadd.f32 v12, v9;
	v9 =	vmul.f32 v16, v14  }
0x89: {  	[tilespmem:s16+$0x8000] =	vst v10;
	v11 =	vmul.f32 v11, v18  }
0x8a: {  	[tilespmem:s16+$0x8010] =	vst v21;
	v9 =	vadd.f32 $-4.973732230e-01, v9  }
0x8b: {  	v12 =	vld [tilespmem:s19+$0x4000];
	v11 =	vadd.f32 $-4.973732230e-01, v11  }
0x8c: {  	v16 =	vld [tilespmem:s19+$0x4010];
	v9 =	vmul.f32 v9, v14  }
0x8d: {  	v11 =	vmul.f32 v11, v18  }
0x8e: {  	v9 =	vadd.f32 $9.998477100e-01, v9  }
0x8f: {  	v11 =	vadd.f32 $9.998477100e-01, v11  }
0x90: {  	v12 =	vmul.f32 v12, v19;
	v9 =	vmul.f32 v9, v14  }
0x91: {  	v14 =	vmax.f32 v19, $0.0e+00;
	v16 =	vmul.f32 v16, v25;
	v11 =	vmul.f32 v11, v18  }
0x92: {  	v18 =	vmax.f32 v25, $0.0e+00;
	v12 =	vsub.f32 v14, v12;
	v9 =	vadd.f32 $1.472065040e-06, v9  }
0x93: {  	v14 =	vsub.f32 v18, v16;
	v11 =	vadd.f32 $1.472065040e-06, v11  }
0x94: {  	v18 =	vadd.f32 v9, v12  }
0x95: {  	v19 =	vadd.f32 v11, v14  }
0x96: {  	[tilespmem:s19+$0x8000] =	vst v18  }
0x97: {  	[tilespmem:s19+$0x8010] =	vst v19  }
0x98: {  	_ =	swait.ge [sflag:s11], $0x2000  }
0x99: {  	[sflag:s11] =	ssyncset.done $0x0  }
0x9a: {  	[sflag:s11] =	ssyncadd.s32 $0xFFFFE000  }
0x9b: {  	s24 =	simm.s32 $0x0;
	_ =	swait.ge [sflag:s12], $0x2000  }
0x9c: {  	s25 =	sand.u32 $0x60, s24;
	s16 =	sand.u32 $0x3F00, s24;
	[sflag:s12] =	ssyncset.done $0x0  }
0x9d: {  	s18 =	sor.u32 s25, s16;
	[sflag:s12] =	ssyncadd.s32 $0xFFFFE000  }
0x9e: {  	v23 =	vld [tilespmem:s18+$0x80];
	_ =	sdelay $0x2  }
0x9f: {  	v14 =	vld [tilespmem:s18+$0x90];
	_ =	sdelay $0x1  }
0xa0: {  	v9 =	vand.u32 $0x7FFFFFFF, v23  }
0xa1: {  	v9 =	vsub.f32 $0.0e+00, v9;
	_ =	sdelay $0x1  }
0xa2: {  	v11 =	vand.u32 $0x7FFFFFFF, v14;
	v9 =	vmul.f32 $1.442695020e+00, v9  }
0xa3: {  	v11 =	vsub.f32 $0.0e+00, v11  }
0xa4: {  	(erf) = vpow2.f32 v9  }
0xa5: {  	s26 =	simm.s32 $0x20;
	s28 =	simm.s32 $0x40;
	v11 =	vmul.f32 $1.442695020e+00, v11  }
0xa6: {  	s17 =	sand.u32 $0x3F00, s28;
	s16 =	sand.u32 $0x60, s26  }
0xa7: {  	s17 =	sor.u32 s16, s17;
	(erf) = vpow2.f32 v11  }
0xa8: {  	v12 =	vld [tilespmem:s17+$0x80];
	_ =	sdelay $0x3  }
0xa9: {  	v11 =	vld [tilespmem:s17+$0x90]  }
0xaa: {  	v9 =	vand.u32 $0x7FFFFFFF, v12;
	v24 =	vpop (erf)  }
0xab: {  	v9 =	vsub.f32 $0.0e+00, v9;
	v25 =	vmul.f32 $1.741407810e-02, v24;
	_ =	sdelay $0x1  }
0xac: {  	v9 =	vmul.f32 $1.442695020e+00, v9;
	v16 =	vpop (erf);
	v25 =	vsub.f32 $8.269123730e-02, v25  }
0xad: {  	v8 =	vmax.f32 v8, v15;
	v22 =	vand.u32 $0x7FFFFFFF, v11;
	v26 =	vmul.f32 $1.741407810e-02, v16  }
0xae: {  	v22 =	vsub.f32 $0.0e+00, v22;
	(erf) = vpow2.f32 v9;
	v9 =	vmul.f32 v25, v24  }
0xaf: {  	s29 =	simm.s32 $0x40;
	s30 =	simm.s32 $0x80;
	v8 =	vmax.f32 v8, v13;
	v26 =	vsub.f32 $8.269123730e-02, v26  }
0xb0: {  	v8 =	vmax.f32 v8, v20;
	s16 =	sand.u32 $0x60, s29;
	s19 =	sand.u32 $0x3F00, s30;
	v22 =	vmul.f32 $1.442695020e+00, v22;
	v15 =	vadd.f32 $-1.903543320e-01, v9  }
0xb1: {  	v8 =	vmax.f32 v8, v17;
	s16 =	sor.u32 s16, s19;
	v13 =	vmul.f32 v26, v16  }
0xb2: {  	v8 =	vmax.f32 v8, v10;
	v10 =	vld [tilespmem:s16+$0x80];
	(erf) = vpow2.f32 v22;
	v15 =	vmul.f32 v15, v24  }
0xb3: {  	v13 =	vadd.f32 $-1.903543320e-01, v13  }
0xb4: {  	v15 =	vadd.f32 $3.157473210e-01, v15  }
0xb5: {  	v17 =	vmul.f32 v13, v16  }
0xb6: {  	v9 =	vld [tilespmem:s16+$0x90]  }
0xb7: {  	v22 =	vand.u32 $0x7FFFFFFF, v10;
	v17 =	vadd.f32 $3.157473210e-01, v17;
	v20 =	vmul.f32 v15, v24  }
0xb8: {  	v8 =	vmax.f32 v8, v21;
	v22 =	vsub.f32 $0.0e+00, v22;
	v15 =	vpop (erf)  }
0xb9: {  	v8 =	vmax.f32 v8, v18;
	v20 =	vadd.f32 $-4.973732230e-01, v20;
	v26 =	vmul.f32 $1.741407810e-02, v15  }
0xba: {  	v18 =	vmax.f32 v14, $0.0e+00;
	v22 =	vmul.f32 $1.442695020e+00, v22;
	v25 =	vmul.f32 v17, v16  }
0xbb: {  	v21 =	vand.u32 $0x7FFFFFFF, v9;
	v17 =	vpop (erf);
	v20 =	vmul.f32 v20, v24;
	v26 =	vsub.f32 $8.269123730e-02, v26  }
0xbc: {  	v62 =	vld [tilespmem:s18+$0x4080];
	v21 =	vsub.f32 $0.0e+00, v21;
	v25 =	vadd.f32 $-4.973732230e-01, v25;
	v27 =	vmul.f32 $1.741407810e-02, v17  }
0xbd: {  	(erf) = vpow2.f32 v22;
	v22 =	vmul.f32 v26, v15;
	v26 =	vadd.f32 $9.998477100e-01, v20;
	v20 =	vld [tilespmem:s18+$0x4090]  }
0xbe: {  	v21 =	vmul.f32 $1.442695020e+00, v21;
	v63 =	vmul.f32 v25, v16;
	v27 =	vsub.f32 $8.269123730e-02, v27  }
0xbf: {  	s31 =	simm.s32 $0x60;
	s20 =	simm.s32 $0xC0;
	v13 =	vmax.f32 v8, v19;
	v8 =	vimm.f32 $0.0e+00;
	v19 =	vmax.f32 v23, $0.0e+00  }
0xc0: {  	s21 =	sand.u32 $0x3F00, s20;
	s19 =	sand.u32 $0x60, s31;
	(erf) = vpow2.f32 v21;
	v21 =	vadd.f32 $9.998477100e-01, v63;
	v25 =	vmul.f32 v27, v17  }
0xc1: {  	s19 =	sor.u32 s19, s21;
	s21 =	simm.s32 $0x80;
	v23 =	vmul.f32 v62, v23;
	v22 =	vadd.f32 $-1.903543320e-01, v22;
	v24 =	vmul.f32 v26, v24  }
.LBB2_12:
0xc2: {  	p0 =	sne.s32 s21, $0x1FE0;
	v25 =	vadd.f32 $-1.903543320e-01, v25;
	v20 =	vmul.f32 v20, v14;
	v21 =	vmul.f32 v21, v16;
	v14 =	vmovc v11;
	v11 =	vmovc v9;
	v9 =	vld [tilespmem:s19+$0x90]  }
0xc3: {  	v16 =	vmovc v17;
	v26 =	vld [tilespmem:s19+$0x80];
	v22 =	vmul.f32 v22, v15;
	v19 =	vsub.f32 v19, v23;
	v23 =	vadd.f32 $1.472065040e-06, v24;
	v24 =	vmovc v15  }
0xc4: {  	v15 =	vmul.f32 v25, v16;
	v17 =	vsub.f32 v18, v20;
	v20 =	vadd.f32 $1.472065040e-06, v21  }
0xc5: {  	v18 =	vmax.f32 v14, $0.0e+00;
	v21 =	vadd.f32 $3.157473210e-01, v22;
	v22 =	vadd.f32 v23, v19  }
0xc6: {  	v19 =	vmax.f32 v12, $0.0e+00;
	v23 =	vadd.f32 $3.157473210e-01, v15;
	v27 =	vadd.f32 v20, v17  }
0xc7: {  	v20 =	vand.u32 $0x7FFFFFFF, v9;
	v21 =	vmul.f32 v21, v24;
	[tilespmem:s18+$0x8080] =	vst v22;
	v8 =	vmax.f32 v8, v22  }
0xc8: {  	v22 =	vand.u32 $0x7FFFFFFF, v26;
	v15 =	vpop (erf);
	v23 =	vmul.f32 v23, v16;
	[tilespmem:s18+$0x8090] =	vst v27;
	v8 =	vmax.f32 v8, v27;
	s18 =	smov.u32 s17;
	s17 =	smov.u32 s16;
	s16 =	smov.u32 s19  }
0xc9: {  	v22 =	vsub.f32 $0.0e+00, v22;
	v17 =	vpop (erf)  }
0xca: {  	v25 =	vmul.f32 $1.741407810e-02, v15;
	v21 =	vadd.f32 $-4.973732230e-01, v21;
	v28 =	vmul.f32 $1.741407810e-02, v17  }
0xcb: {  	v27 =	vsub.f32 $0.0e+00, v20;
	v29 =	vld [tilespmem:s18+$0x4080];
	v23 =	vadd.f32 $-4.973732230e-01, v23;
	v22 =	vmul.f32 $1.442695020e+00, v22  }
.Ltmp5:
0xcc: {  	v25 =	vsub.f32 $8.269123730e-02, v25;
	v21 =	vmul.f32 v21, v24;
	v20 =	vld [tilespmem:s18+$0x4090];
	(pc) =	sbr.rel @p0 .LBB2_12-.Ltmp5, $4  }
0xcd: {  	v27 =	vmul.f32 $1.442695020e+00, v27;
	v28 =	vsub.f32 $8.269123730e-02, v28;
	v23 =	vmul.f32 v23, v16  }
0xce: {  	s20 =	sadd.s32 $0x40, s20;
	(erf) = vpow2.f32 v22;
	v22 =	vmul.f32 v25, v15;
	v30 =	vadd.f32 $9.998477100e-01, v21  }
0xcf: {  	s22 =	sand.u32 $0x3F00, s20;
	s19 =	sand.u32 $0x60, s21;
	(erf) = vpow2.f32 v27;
	v25 =	vmul.f32 v28, v17;
	v21 =	vadd.f32 $9.998477100e-01, v23  }
0xd0: {  	s21 =	sadd.s32 $0x20, s21;
	s19 =	sor.u32 s19, s22;
	v22 =	vadd.f32 $-1.903543320e-01, v22;
	v23 =	vmul.f32 v29, v12;
	v24 =	vmul.f32 v30, v24;
	v12 =	vmovc v10;
	v10 =	vmovc v26  }
0xd1: {  	v25 =	vadd.f32 $-1.903543320e-01, v25  }
0xd2: {  	v14 =	vmul.f32 v20, v14;
	v16 =	vmul.f32 v21, v16;
	v20 =	vld [tilespmem:s19+$0x80];
	v63 =	vmax.f32 v11, $0.0e+00  }
0xd3: {  	v26 =	vld [tilespmem:s19+$0x90];
	v53 =	vmul.f32 v22, v15;
	v19 =	vsub.f32 v19, v23;
	v54 =	vadd.f32 $1.472065040e-06, v24  }
0xd4: {  	v55 =	vmul.f32 v25, v17;
	v14 =	vsub.f32 v18, v14;
	v16 =	vadd.f32 $1.472065040e-06, v16  }
0xd5: {  	v41 =	vperm.xlane v13, v3;
	v56 =	vadd.f32 $3.157473210e-01, v53;
	v19 =	vadd.f32 v54, v19  }
0xd6: {  	v30 =	vmax.f32 v12, $0.0e+00;
	v57 =	vadd.f32 $3.157473210e-01, v55;
	v14 =	vadd.f32 v16, v14  }
0xd7: {  	v13 =	vmax.f32 v13, v41;
	v18 =	vmul.f32 v56, v15;
	v59 =	vand.u32 $0x7FFFFFFF, v20;
	[tilespmem:s18+$0x8080] =	vst v19  }
0xd8: {  	v58 =	vand.u32 $0x7FFFFFFF, v26;
	v60 =	vpop (erf);
	v21 =	vmul.f32 v57, v17;
	v22 =	vsub.f32 $0.0e+00, v59;
	[tilespmem:s18+$0x8090] =	vst v14  }
0xd9: {  	v16 =	vsub.f32 $0.0e+00, v58;
	v61 =	vmul.f32 $1.741407810e-02, v60;
	v62 =	vpop (erf);
	v18 =	vadd.f32 $-4.973732230e-01, v18;
	v28 =	vld [tilespmem:s17+$0x4080]  }
0xda: {  	v27 =	vmul.f32 $1.741407810e-02, v62;
	v21 =	vadd.f32 $-4.973732230e-01, v21;
	v22 =	vmul.f32 $1.442695020e+00, v22  }
0xdb: {  	v29 =	vld [tilespmem:s17+$0x4090];
	v16 =	vmul.f32 $1.442695020e+00, v16;
	v24 =	vsub.f32 $8.269123730e-02, v61;
	v18 =	vmul.f32 v18, v15  }
0xdc: {  	v27 =	vsub.f32 $8.269123730e-02, v27;
	v21 =	vmul.f32 v21, v17;
	(erf) = vpow2.f32 v22  }
0xdd: {  	v24 =	vmul.f32 v24, v60;
	(erf) = vpow2.f32 v16;
	v18 =	vadd.f32 $9.998477100e-01, v18  }
0xde: {  	v48 =	vperm.xlane v13, v0;
	v27 =	vmul.f32 v27, v62;
	v21 =	vadd.f32 $9.998477100e-01, v21  }
0xdf: {  	v31 =	vmul.f32 v28, v12;
	v24 =	vadd.f32 $-1.903543320e-01, v24;
	v32 =	vmul.f32 v18, v15  }
0xe0: {  	v11 =	vmul.f32 v29, v11;
	v33 =	vadd.f32 $-1.903543320e-01, v27;
	v34 =	vmul.f32 v21, v17  }
0xe1: {  	v12 =	vsub.f32 v30, v31;
	v35 =	vmul.f32 v24, v60;
	v15 =	vadd.f32 $1.472065040e-06, v32  }
0xe2: {  	v11 =	vsub.f32 v63, v11;
	v36 =	vmul.f32 v33, v62;
	v17 =	vadd.f32 $1.472065040e-06, v34  }
0xe3: {  	v37 =	vadd.f32 $3.157473210e-01, v35;
	v12 =	vadd.f32 v15, v12  }
0xe4: {  	v13 =	vmax.f32 v13, v48;
	v38 =	vadd.f32 $3.157473210e-01, v36;
	v11 =	vadd.f32 v17, v11  }
0xe5: {  	v50 =	vperm.xlane v13, v1;
	v39 =	vmul.f32 v37, v60;
	[tilespmem:s17+$0x8080] =	vst v12;
	v40 =	vpop (erf)  }
0xe6: {  	v46 =	vmax.f32 v9, $0.0e+00;
	v15 =	vmul.f32 v38, v62;
	[tilespmem:s17+$0x8090] =	vst v11;
	v42 =	vmul.f32 $1.741407810e-02, v40;
	v43 =	vpop (erf)  }
0xe7: {  	v13 =	vmax.f32 v13, v50;
	v16 =	vadd.f32 $-4.973732230e-01, v39;
	v44 =	vmul.f32 $1.741407810e-02, v43;
	v45 =	vld [tilespmem:s16+$0x4080]  }
0xe8: {  	v52 =	vperm.xlane v13, v2;
	v47 =	vld [tilespmem:s16+$0x4090];
	v15 =	vadd.f32 $-4.973732230e-01, v15;
	v21 =	vsub.f32 $8.269123730e-02, v42  }
0xe9: {  	v49 =	vmax.f32 v10, $0.0e+00;
	v16 =	vmul.f32 v16, v60;
	v24 =	vsub.f32 $8.269123730e-02, v44  }
0xea: {  	v13 =	vmax.f32 v13, v52;
	v15 =	vmul.f32 v15, v62;
	v21 =	vmul.f32 v21, v40  }
0xeb: {  	(v2sf) =	vpush v13, $0x0;
	v16 =	vadd.f32 $9.998477100e-01, v16;
	v24 =	vmul.f32 v24, v43  }
0xec: {  	v15 =	vadd.f32 $9.998477100e-01, v15;
	v21 =	vadd.f32 $-1.903543320e-01, v21;
	v10 =	vmul.f32 v45, v10  }
0xed: {  	v9 =	vmul.f32 v47, v9;
	v16 =	vmul.f32 v16, v60;
	v51 =	vadd.f32 $-1.903543320e-01, v24  }
0xee: {  	v15 =	vmul.f32 v15, v62;
	v21 =	vmul.f32 v21, v40;
	v10 =	vsub.f32 v49, v10  }
0xef: {  	v9 =	vsub.f32 v46, v9;
	v16 =	vadd.f32 $1.472065040e-06, v16;
	v23 =	vmul.f32 v51, v43  }
0xf0: {  	v15 =	vadd.f32 $1.472065040e-06, v15;
	v53 =	vadd.f32 $3.157473210e-01, v21  }
0xf1: {  	v10 =	vadd.f32 v16, v10;
	v54 =	vadd.f32 $3.157473210e-01, v23  }
0xf2: {  	v9 =	vadd.f32 v15, v9;
	v55 =	vmul.f32 v53, v40  }
0xf3: {  	[tilespmem:s16+$0x8080] =	vst v10;
	v56 =	vmul.f32 v54, v43  }
0xf4: {  	[tilespmem:s16+$0x8090] =	vst v9;
	v13 =	vadd.f32 $-4.973732230e-01, v55  }
0xf5: {  	v57 =	vld [tilespmem:s19+$0x4080];
	v15 =	vadd.f32 $-4.973732230e-01, v56  }
0xf6: {  	v58 =	vld [tilespmem:s19+$0x4090];
	v13 =	vmul.f32 v13, v40  }
0xf7: {  	v15 =	vmul.f32 v15, v43  }
0xf8: {  	v8 =	vmax.f32 v8, v19;
	v13 =	vadd.f32 $9.998477100e-01, v13  }
0xf9: {  	v8 =	vmax.f32 v8, v14;
	v59 =	vadd.f32 $9.998477100e-01, v15  }
0xfa: {  	v61 =	vmax.f32 v20, $0.0e+00;
	v60 =	vmul.f32 v57, v20;
	v13 =	vmul.f32 v13, v40  }
0xfb: {  	v63 =	vmax.f32 v26, $0.0e+00;
	v62 =	vmul.f32 v58, v26;
	v14 =	vmul.f32 v59, v43  }
0xfc: {  	v8 =	vmax.f32 v8, v12;
	v12 =	vsub.f32 v61, v60;
	v13 =	vadd.f32 $1.472065040e-06, v13  }
0xfd: {  	v8 =	vmax.f32 v8, v11;
	v11 =	vsub.f32 v63, v62;
	v14 =	vadd.f32 $1.472065040e-06, v14  }
0xfe: {  	v8 =	vmax.f32 v8, v10;
	v10 =	vadd.f32 v13, v12  }
0xff: {  	v8 =	vmax.f32 v8, v9;
	v9 =	vadd.f32 v14, v11  }
0x100: {  	s31 =	spop (v2sf);
	[tilespmem:s19+$0x8080] =	vst v10;
	v8 =	vmax.f32 v8, v10  }
0x101: {  	s18 =	sadd.s32 $0x1, s31;
	s16 =	simm.s32 $0x0;
	[tilespmem:s19+$0x8090] =	vst v9;
	v8 =	vmax.f32 v8, v9;
	s19 =	simm.s32 $0x0  }
.LBB2_14:
0x102: {  	s17 =	ssub.s32 s18, s16;
	s22 =	simm.s32 $0x0  }
0x103: {  	s17 =	sshra.s32 s17, $0x1;
	v10 =	vld [tilespmem:s22+$0x8000]  }
0x104: {  	v12 =	vld [tilespmem:s22+$0x8010];
	s17 =	sadd.s32 s16, s17  }
0x105: {  	v14 =	vld [tilespmem:s22+$0x8020];
	v9 =	vmov s17  }
0x106: {  	v13 =	vld [tilespmem:s22+$0x8030];
	v9 =	vbroadcast v9, $0x0  }
0x107: {  	v11 =	vld [tilespmem:s22+$0x8040]  }
0x108: {  	vm0 =	vge.f32 v10, v9;
	v10 =	vld [tilespmem:s22+$0x8050]  }
0x109: {  	v15 =	vimm.s32 $0x0;
	v16 =	vsel vm0, $0x1, v4;
	vm0 =	vge.f32 v12, v9;
	v12 =	vld [tilespmem:s22+$0x8060]  }
0x10a: {  	s20 =	simm.s32 $0x100;
	s21 =	simm.s32 $0x800;
	v15 =	vadd.s32 v16, v15;
	v16 =	vsel vm0, $0x1, v4;
	vm0 =	vge.f32 v14, v9;
	v14 =	vld [tilespmem:s22+$0x8070]  }
.LBB2_15:
0x10b: {  	p0 =	sne.s32 s21, $0xFC00;
	v17 =	vld [tilespmem:s20+$0x8000];
	v15 =	vadd.s32 v16, v15;
	v16 =	vsel vm0, $0x1, v4;
	vm0 =	vge.f32 v13, v9  }
0x10c: {  	v18 =	vld [tilespmem:s20+$0x8010];
	v13 =	vadd.s32 v16, v15;
	v15 =	vsel vm0, $0x1, v4;
	vm0 =	vge.f32 v11, v9  }
0x10d: {  	v19 =	vld [tilespmem:s20+$0x8020];
	v11 =	vadd.s32 v15, v13;
	v15 =	vsel vm0, $0x1, v4;
	vm0 =	vge.f32 v10, v9  }
.Ltmp6:
0x10e: {  	v13 =	vld [tilespmem:s20+$0x8030];
	v10 =	vadd.s32 v15, v11;
	v15 =	vsel vm0, $0x1, v4;
	vm0 =	vge.f32 v12, v9;
	(pc) =	sbr.rel @p0 .LBB2_15-.Ltmp6, $4  }
0x10f: {  	v11 =	vld [tilespmem:s20+$0x8040];
	v12 =	vadd.s32 v15, v10;
	v15 =	vsel vm0, $0x1, v4;
	vm0 =	vge.f32 v14, v9  }
0x110: {  	vm1 =	vge.f32 v17, v9;
	v10 =	vld [tilespmem:s20+$0x8050];
	v14 =	vadd.s32 v15, v12;
	v15 =	vsel vm0, $0x1, v4  }
0x111: {  	v16 =	vsel vm1, $0x1, v4;
	vm0 =	vge.f32 v18, v9;
	v12 =	vld [tilespmem:s20+$0x8060];
	v14 =	vadd.s32 v15, v14  }
0x112: {  	v15 =	vadd.s32 v16, v14;
	v16 =	vsel vm0, $0x1, v4;
	vm0 =	vge.f32 v19, v9;
	v14 =	vld [tilespmem:s20+$0x8070];
	s20 =	sshra.s32 s21, $0x2;
	s21 =	sadd.s32 $0x400, s21  }
0x113: {  	v17 =	vld [tilespmem:s20+$0x8000];
	v15 =	vadd.s32 v16, v15;
	v49 =	vsel vm0, $0x1, v4;
	vm4 =	vge.f32 v13, v9  }
0x114: {  	v50 =	vld [tilespmem:s20+$0x8010];
	v15 =	vadd.s32 v49, v15;
	v51 =	vsel vm4, $0x1, v4;
	vm5 =	vge.f32 v11, v9  }
0x115: {  	v11 =	vld [tilespmem:s20+$0x8020];
	v15 =	vadd.s32 v51, v15;
	v52 =	vsel vm5, $0x1, v4;
	vm6 =	vge.f32 v10, v9  }
0x116: {  	v10 =	vld [tilespmem:s20+$0x8030];
	v15 =	vadd.s32 v52, v15;
	v53 =	vsel vm6, $0x1, v4;
	vm7 =	vge.f32 v12, v9  }
0x117: {  	v54 =	vld [tilespmem:s20+$0x8040];
	v15 =	vadd.s32 v53, v15;
	v55 =	vsel vm7, $0x1, v4;
	vm8 =	vge.f32 v14, v9  }
0x118: {  	v56 =	vld [tilespmem:s20+$0x8050];
	vm1 =	vge.f32 v17, v9;
	v15 =	vadd.s32 v55, v15;
	v57 =	vsel vm8, $0x1, v4  }
0x119: {  	v58 =	vld [tilespmem:s20+$0x8060];
	vm9 =	vge.f32 v50, v9;
	v17 =	vsel vm1, $0x1, v4;
	v15 =	vadd.s32 v57, v15  }
0x11a: {  	v59 =	vsel vm9, $0x1, v4;
	vm10 =	vge.f32 v11, v9;
	v11 =	vld [tilespmem:s20+$0x8070];
	v15 =	vadd.s32 v17, v15  }
0x11b: {  	v60 =	vsel vm10, $0x1, v4;
	vm11 =	vge.f32 v10, v9;
	v15 =	vadd.s32 v59, v15  }
0x11c: {  	vm12 =	vge.f32 v54, v9;
	v61 =	vsel vm11, $0x1, v4;
	v10 =	vadd.s32 v60, v15  }
0x11d: {  	vm13 =	vge.f32 v56, v9;
	v12 =	vsel vm12, $0x1, v4;
	v10 =	vadd.s32 v61, v10  }
0x11e: {  	vm14 =	vge.f32 v58, v9;
	v62 =	vsel vm13, $0x1, v4;
	v10 =	vadd.s32 v12, v10  }
0x11f: {  	v63 =	vsel vm14, $0x1, v4;
	vm15 =	vge.f32 v11, v9;
	v10 =	vadd.s32 v62, v10  }
0x120: {  	v9 =	vadd.s32 v63, v10;
	v10 =	vsel vm15, $0x1, v4  }
0x121: {  	v9 =	vadd.s32 v10, v9  }
0x122: {  	v10 =	vperm.xlane v9, v3;
	_ =	sdelay $0x1  }
0x123: {  	v9 =	vadd.s32 v9, v10  }
0x124: {  	v10 =	vperm.xlane v9, v0;
	_ =	sdelay $0x1  }
0x125: {  	v9 =	vadd.s32 v10, v9  }
0x126: {  	v10 =	vperm.xlane v9, v1;
	_ =	sdelay $0x1  }
0x127: {  	v9 =	vadd.s32 v10, v9  }
0x128: {  	v10 =	vperm.xlane v9, v2;
	_ =	sdelay $0x1  }
0x129: {  	v9 =	vadd.s32 v10, v9  }
0x12a: {  	(v2sf) =	vpush v9, $0x0;
	_ =	sdelay $0xe  }
0x12b: {  	s31 =	spop (v2sf)  }
0x12c: {  	s19 =	sadd.s32 $0x1, s19;
	p0 =	sgt.s32 s31, $0xA2  }
0x12d: {  	s16 =	smov.u32 @p0 s17;
	s17 =	smov.u32 @p0 s18;
	p0 =	sne.s32 s19, $0xF  }
.Ltmp7:
0x12e: {  	_ = 	snop;
	(pc) =	sbr.rel @p0 .LBB2_14-.Ltmp7, $2  }
0x12f: {  	_ =	sdelay $0x2  }
0x130: {  	s18 =	smov.u32 s17  }
0x131: {  	s18 =	simm.s32 $0x0  }
0x132: {  	v19 =	vld [tilespmem:s18+$0x8070]  }
0x133: {  	v17 =	vld [tilespmem:s18+$0x8060]  }
0x134: {  	v16 =	vld [tilespmem:s18+$0x8050]  }
0x135: {  	v11 =	vmov s16;
	v9 =	vld [tilespmem:s18+$0x8040]  }
0x136: {  	v10 =	vld [tilespmem:s18+$0x8030];
	v12 =	vbroadcast v11, $0x0;
	v11 =	vmov s17  }
0x137: {  	v15 =	vld [tilespmem:s18+$0x8020];
	v13 =	vbroadcast v11, $0x0  }
0x138: {  	v20 =	vimm.f32 $0.0e+00;
	v21 =	vimm.f32 $0.0e+00;
	v14 =	vimm.s32 $0x0;
	v18 =	vld [tilespmem:s18+$0x8010]  }
0x139: {  	v22 =	vld [tilespmem:s18+$0x8000];
	v11 =	vimm.s32 $0x0;
	vm3 =	vge.f32 v19, v12;
	vm6 =	vge.f32 v19, v13  }
0x13a: {  	vm13 =	vge.f32 v16, v12;
	vm1 =	vge.f32 v17, v12;
	vm2 =	vge.f32 v17, v13  }
0x13b: {  	vm7 =	vge.f32 v9, v12;
	vm8 =	vge.f32 v9, v13;
	vm0 =	vge.f32 v16, v13  }
0x13c: {  	vm11 =	vge.f32 v15, v12;
	vm9 =	vge.f32 v10, v12;
	vm10 =	vge.f32 v10, v13  }
0x13d: {  	s16 =	simm.s32 $0x400;
	vm12 =	vge.f32 v18, v12;
	vm15 =	vge.f32 v18, v13;
	vm14 =	vge.f32 v15, v13  }
.LBB2_18:
0x13e: {  	p0 =	sne.s32 s16, $0xFC00;
	vm4 =	vge.f32 v22, v12;
	vm5 =	vge.f32 v22, v13;
	v23 =	vnsel vm6, $0x0, v19  }
0x13f: {  	v24 =	vsel vm6, $0x1, v4;
	v25 =	vnsel vm3, $0x0, v19;
	v26 =	vsel vm3, $0x1, v4  }
0x140: {  	v27 =	vsel vm0, $0x1, v4;
	v28 =	vsel vm2, $0x1, v4;
	v29 =	vsel vm1, $0x1, v4  }
0x141: {  	v30 =	vsel vm13, $0x1, v4;
	v31 =	vnsel vm2, $0x0, v17;
	v32 =	vnsel vm1, $0x0, v17  }
0x142: {  	v33 =	vsel vm10, $0x1, v4;
	v34 =	vsel vm8, $0x1, v4;
	v35 =	vsel vm7, $0x1, v4  }
0x143: {  	v36 =	vsel vm9, $0x1, v4;
	v37 =	vnsel vm0, $0x0, v16;
	v17 =	vnsel vm5, $0x0, v22  }
0x144: {  	v19 =	vnsel vm4, $0x0, v22;
	v17 =	vadd.f32 v17, v20;
	v20 =	vnsel vm13, $0x0, v16  }
0x145: {  	v16 =	vadd.f32 v19, v21;
	v19 =	vnsel vm15, $0x0, v18;
	v21 =	vsel vm14, $0x1, v4  }
0x146: {  	v22 =	vsel vm11, $0x1, v4;
	v18 =	vnsel vm12, $0x0, v18;
	v17 =	vadd.f32 v19, v17  }
0x147: {  	v38 =	vsel vm15, $0x1, v4;
	v16 =	vadd.f32 v18, v16;
	v18 =	vnsel vm14, $0x0, v15  }
0x148: {  	v39 =	vsel vm12, $0x1, v4;
	v15 =	vnsel vm11, $0x0, v15;
	v17 =	vadd.f32 v18, v17  }
0x149: {  	v15 =	vadd.f32 v15, v16;
	v16 =	vnsel vm10, $0x0, v10;
	v18 =	vnsel vm8, $0x0, v9  }
0x14a: {  	v10 =	vnsel vm9, $0x0, v10;
	v9 =	vnsel vm7, $0x0, v9;
	v16 =	vadd.f32 v16, v17  }
0x14b: {  	v19 =	vsel vm4, $0x1, v4;
	v17 =	vsel vm5, $0x1, v4;
	v10 =	vadd.f32 v10, v15  }
0x14c: {  	s17 =	sshra.s32 s16, $0x2;
	v14 =	vadd.s32 v19, v14;
	v11 =	vadd.s32 v17, v11;
	v15 =	vadd.f32 v18, v16  }
0x14d: {  	v14 =	vadd.s32 v39, v14;
	v11 =	vadd.s32 v38, v11;
	v9 =	vadd.f32 v9, v10;
	v19 =	vld [tilespmem:s17+$0x8070]  }
0x14e: {  	v10 =	vadd.s32 v21, v11;
	v11 =	vadd.s32 v22, v14;
	v14 =	vadd.f32 v37, v15;
	v17 =	vld [tilespmem:s17+$0x8060]  }
0x14f: {  	v10 =	vadd.s32 v33, v10;
	v11 =	vadd.s32 v36, v11;
	v15 =	vadd.f32 v20, v9;
	v16 =	vld [tilespmem:s17+$0x8050]  }
0x150: {  	v18 =	vadd.s32 v34, v10;
	v11 =	vadd.s32 v35, v11;
	v14 =	vadd.f32 v31, v14;
	v9 =	vld [tilespmem:s17+$0x8040]  }
0x151: {  	v18 =	vadd.s32 v27, v18;
	v11 =	vadd.s32 v30, v11;
	v21 =	vadd.f32 v32, v15;
	v10 =	vld [tilespmem:s17+$0x8030]  }
0x152: {  	v22 =	vadd.s32 v28, v18;
	v27 =	vadd.s32 v29, v11;
	v20 =	vadd.f32 v23, v14;
	v15 =	vld [tilespmem:s17+$0x8020]  }
0x153: {  	v11 =	vadd.s32 v24, v22;
	v21 =	vadd.f32 v25, v21;
	v14 =	vadd.s32 v26, v27;
	v18 =	vld [tilespmem:s17+$0x8010]  }
.Ltmp8:
0x154: {  	vm3 =	vge.f32 v19, v12;
	vm6 =	vge.f32 v19, v13;
	v22 =	vld [tilespmem:s17+$0x8000];
	(pc) =	sbr.rel @p0 .LBB2_18-.Ltmp8, $4  }
0x155: {  	vm1 =	vge.f32 v17, v12;
	vm2 =	vge.f32 v17, v13;
	vm13 =	vge.f32 v16, v12  }
0x156: {  	vm0 =	vge.f32 v16, v13;
	vm7 =	vge.f32 v9, v12;
	vm8 =	vge.f32 v9, v13  }
0x157: {  	vm9 =	vge.f32 v10, v12;
	vm10 =	vge.f32 v10, v13;
	vm11 =	vge.f32 v15, v12  }
0x158: {  	s16 =	sadd.s32 $0x400, s16;
	vm14 =	vge.f32 v15, v13;
	vm12 =	vge.f32 v18, v12;
	vm15 =	vge.f32 v18, v13  }
0x159: {  	vm4 =	vge.f32 v22, v12;
	vm5 =	vge.f32 v22, v13;
	v12 =	vnsel vm6, $0x0, v19  }
0x15a: {  	v13 =	vsel vm6, $0x1, v4;
	v52 =	vnsel vm3, $0x0, v19;
	v23 =	vsel vm3, $0x1, v4  }
0x15b: {  	v24 =	vsel vm0, $0x1, v4;
	v25 =	vsel vm2, $0x1, v4;
	v26 =	vsel vm1, $0x1, v4  }
0x15c: {  	v27 =	vsel vm13, $0x1, v4;
	v28 =	vnsel vm2, $0x0, v17;
	v17 =	vnsel vm1, $0x0, v17  }
0x15d: {  	v29 =	vsel vm10, $0x1, v4;
	v30 =	vsel vm8, $0x1, v4;
	v31 =	vsel vm7, $0x1, v4  }
0x15e: {  	v33 =	vsel vm9, $0x1, v4;
	v34 =	vnsel vm0, $0x0, v16;
	v16 =	vnsel vm13, $0x0, v16  }
0x15f: {  	v54 =	vnsel vm15, $0x0, v18;
	v55 =	vsel vm14, $0x1, v4;
	v56 =	vnsel vm12, $0x0, v18  }
0x160: {  	v57 =	vsel vm11, $0x1, v4;
	v35 =	vsel vm15, $0x1, v4;
	v32 =	vnsel vm5, $0x0, v22  }
0x161: {  	v58 =	vnsel vm14, $0x0, v15;
	v53 =	vnsel vm4, $0x0, v22;
	v20 =	vadd.f32 v32, v20  }
0x162: {  	v15 =	vnsel vm11, $0x0, v15;
	v59 =	vperm.xlane v8, v3;
	v21 =	vadd.f32 v53, v21  }
0x163: {  	v36 =	vsel vm12, $0x1, v4;
	v60 =	vnsel vm10, $0x0, v10;
	v20 =	vadd.f32 v54, v20  }
0x164: {  	v37 =	vnsel vm8, $0x0, v9;
	v10 =	vnsel vm9, $0x0, v10;
	v18 =	vadd.f32 v56, v21  }
0x165: {  	v62 =	vsel vm5, $0x1, v4;
	v8 =	vmax.f32 v8, v59;
	v20 =	vadd.f32 v58, v20  }
0x166: {  	v11 =	vadd.s32 v62, v11;
	v61 =	vperm.xlane v8, v5;
	v15 =	vadd.f32 v15, v18  }
0x167: {  	v9 =	vnsel vm7, $0x0, v9;
	v11 =	vadd.s32 v35, v11;
	v18 =	vadd.f32 v60, v20  }
0x168: {  	v8 =	vmax.f32 v8, v61;
	v10 =	vadd.f32 v10, v15;
	v15 =	vsel vm4, $0x1, v4  }
0x169: {  	v63 =	vperm.xlane v8, v6;
	v14 =	vadd.s32 v15, v14;
	v15 =	vadd.f32 v37, v18  }
0x16a: {  	v14 =	vadd.s32 v36, v14;
	v9 =	vadd.f32 v9, v10;
	v10 =	vadd.s32 v55, v11  }
0x16b: {  	v8 =	vmax.f32 v8, v63;
	v11 =	vadd.s32 v57, v14;
	v10 =	vadd.s32 v29, v10  }
0x16c: {  	v14 =	vadd.f32 v34, v15;
	v11 =	vadd.s32 v33, v11;
	v15 =	vperm.xlane v8, v7  }
0x16d: {  	v9 =	vadd.f32 v16, v9;
	v10 =	vadd.s32 v30, v10;
	v11 =	vadd.s32 v31, v11  }
0x16e: {  	v10 =	vadd.s32 v24, v10;
	v14 =	vadd.f32 v28, v14;
	v8 =	vmax.f32 v8, v15  }
0x16f: {  	v11 =	vadd.s32 v27, v11;
	v9 =	vadd.f32 v17, v9;
	(v2sf) =	vpush v8, $0x0  }
0x170: {  	v8 =	vadd.s32 v25, v10;
	v10 =	vadd.s32 v26, v11;
	v11 =	vadd.f32 v12, v14  }
0x171: {  	v8 =	vadd.s32 v13, v8;
	v9 =	vadd.f32 v52, v9;
	v10 =	vadd.s32 v23, v10  }
0x172: {  	v12 =	vperm.xlane v8, v3;
	v13 =	vperm.xlane v10, v3  }
0x173: {  	v14 =	vperm.xlane v11, v3;
	v15 =	vperm.xlane v9, v3  }
0x174: {  	v8 =	vadd.s32 v8, v12  }
0x175: {  	v10 =	vadd.s32 v10, v13;
	v11 =	vadd.f32 v14, v11;
	v9 =	vadd.f32 v15, v9  }
0x176: {  	v12 =	vperm.xlane v8, v5;
	v13 =	vperm.xlane v10, v5  }
0x177: {  	v14 =	vperm.xlane v11, v5;
	v15 =	vperm.xlane v9, v5  }
0x178: {  	v8 =	vadd.s32 v12, v8  }
0x179: {  	v10 =	vadd.s32 v13, v10;
	v12 =	vadd.f32 v14, v11;
	v9 =	vadd.f32 v15, v9  }
0x17a: {  	v11 =	vperm.xlane v8, v6;
	v14 =	vperm.xlane v10, v6  }
0x17b: {  	v15 =	vperm.xlane v12, v6;
	v16 =	vperm.xlane v9, v6  }
0x17c: {  	v13 =	vadd.s32 v11, v8  }
0x17d: {  	v11 =	vadd.s32 v14, v10;
	v10 =	vadd.f32 v15, v12;
	v8 =	vadd.f32 v16, v9  }
0x17e: {  	v14 =	vperm.xlane v11, v7;
	v15 =	vperm.xlane v13, v7;
	s16 =	spop (v2sf)  }
0x17f: {  	s19 =	simm.s32 $0x0;
	v12 =	vperm.xlane v10, v7;
	v9 =	vperm.xlane v8, v7;
	s18 =	sadd.s32 $0x1, s16;
	s16 =	simm.s32 $0x0  }
.LBB2_20:
0x180: {  	s17 =	ssub.s32 s18, s16;
	s22 =	simm.s32 $0x0  }
0x181: {  	s17 =	sshra.s32 s17, $0x1;
	v17 =	vld [tilespmem:s22+$0x8080]  }
0x182: {  	v19 =	vld [tilespmem:s22+$0x8090];
	s17 =	sadd.s32 s16, s17  }
0x183: {  	v21 =	vld [tilespmem:s22+$0x80A0];
	v16 =	vmov s17  }
0x184: {  	v20 =	vld [tilespmem:s22+$0x80B0];
	v16 =	vbroadcast v16, $0x0  }
0x185: {  	v18 =	vld [tilespmem:s22+$0x80C0]  }
0x186: {  	vm0 =	vge.f32 v17, v16;
	v17 =	vld [tilespmem:s22+$0x80D0]  }
0x187: {  	v22 =	vimm.s32 $0x0;
	v23 =	vsel vm0, $0x1, v4;
	vm0 =	vge.f32 v19, v16;
	v19 =	vld [tilespmem:s22+$0x80E0]  }
0x188: {  	s20 =	simm.s32 $0x100;
	s21 =	simm.s32 $0x800;
	v22 =	vadd.s32 v23, v22;
	v23 =	vsel vm0, $0x1, v4;
	vm0 =	vge.f32 v21, v16;
	v21 =	vld [tilespmem:s22+$0x80F0]  }
.LBB2_21:
0x189: {  	p0 =	sne.s32 s21, $0xFC00;
	v24 =	vld [tilespmem:s20+$0x8080];
	v22 =	vadd.s32 v23, v22;
	v23 =	vsel vm0, $0x1, v4;
	vm0 =	vge.f32 v20, v16  }
0x18a: {  	v25 =	vld [tilespmem:s20+$0x8090];
	v20 =	vadd.s32 v23, v22;
	v22 =	vsel vm0, $0x1, v4;
	vm0 =	vge.f32 v18, v16  }
0x18b: {  	v26 =	vld [tilespmem:s20+$0x80A0];
	v18 =	vadd.s32 v22, v20;
	v22 =	vsel vm0, $0x1, v4;
	vm0 =	vge.f32 v17, v16  }
.Ltmp9:
0x18c: {  	v20 =	vld [tilespmem:s20+$0x80B0];
	v17 =	vadd.s32 v22, v18;
	v22 =	vsel vm0, $0x1, v4;
	vm0 =	vge.f32 v19, v16;
	(pc) =	sbr.rel @p0 .LBB2_21-.Ltmp9, $4  }
0x18d: {  	v18 =	vld [tilespmem:s20+$0x80C0];
	v19 =	vadd.s32 v22, v17;
	v22 =	vsel vm0, $0x1, v4;
	vm0 =	vge.f32 v21, v16  }
0x18e: {  	vm1 =	vge.f32 v24, v16;
	v17 =	vld [tilespmem:s20+$0x80D0];
	v21 =	vadd.s32 v22, v19;
	v22 =	vsel vm0, $0x1, v4  }
0x18f: {  	v23 =	vsel vm1, $0x1, v4;
	vm0 =	vge.f32 v25, v16;
	v19 =	vld [tilespmem:s20+$0x80E0];
	v21 =	vadd.s32 v22, v21  }
0x190: {  	v22 =	vadd.s32 v23, v21;
	v23 =	vsel vm0, $0x1, v4;
	vm0 =	vge.f32 v26, v16;
	v21 =	vld [tilespmem:s20+$0x80F0];
	s20 =	sshra.s32 s21, $0x2;
	s21 =	sadd.s32 $0x400, s21  }
0x191: {  	v24 =	vld [tilespmem:s20+$0x8080];
	v22 =	vadd.s32 v23, v22;
	v47 =	vsel vm0, $0x1, v4;
	vm4 =	vge.f32 v20, v16  }
0x192: {  	v48 =	vld [tilespmem:s20+$0x8090];
	v22 =	vadd.s32 v47, v22;
	v49 =	vsel vm4, $0x1, v4;
	vm5 =	vge.f32 v18, v16  }
0x193: {  	v50 =	vld [tilespmem:s20+$0x80A0];
	v22 =	vadd.s32 v49, v22;
	v51 =	vsel vm5, $0x1, v4;
	vm6 =	vge.f32 v17, v16  }
0x194: {  	v17 =	vld [tilespmem:s20+$0x80B0];
	v22 =	vadd.s32 v51, v22;
	v52 =	vsel vm6, $0x1, v4;
	vm7 =	vge.f32 v19, v16  }
0x195: {  	v53 =	vld [tilespmem:s20+$0x80C0];
	v22 =	vadd.s32 v52, v22;
	v54 =	vsel vm7, $0x1, v4;
	vm8 =	vge.f32 v21, v16  }
0x196: {  	v55 =	vld [tilespmem:s20+$0x80D0];
	vm1 =	vge.f32 v24, v16;
	v22 =	vadd.s32 v54, v22;
	v56 =	vsel vm8, $0x1, v4  }
0x197: {  	v57 =	vld [tilespmem:s20+$0x80E0];
	vm9 =	vge.f32 v48, v16;
	v24 =	vsel vm1, $0x1, v4;
	v22 =	vadd.s32 v56, v22  }
0x198: {  	v59 =	vld [tilespmem:s20+$0x80F0];
	vm10 =	vge.f32 v50, v16;
	v58 =	vsel vm9, $0x1, v4;
	v22 =	vadd.s32 v24, v22  }
0x199: {  	v60 =	vsel vm10, $0x1, v4;
	vm11 =	vge.f32 v17, v16;
	v22 =	vadd.s32 v58, v22  }
0x19a: {  	vm12 =	vge.f32 v53, v16;
	v61 =	vsel vm11, $0x1, v4;
	v17 =	vadd.s32 v60, v22  }
0x19b: {  	vm13 =	vge.f32 v55, v16;
	v19 =	vsel vm12, $0x1, v4;
	v17 =	vadd.s32 v61, v17  }
0x19c: {  	vm14 =	vge.f32 v57, v16;
	v62 =	vsel vm13, $0x1, v4;
	v17 =	vadd.s32 v19, v17  }
0x19d: {  	vm15 =	vge.f32 v59, v16;
	v63 =	vsel vm14, $0x1, v4;
	v17 =	vadd.s32 v62, v17  }
0x19e: {  	v16 =	vadd.s32 v63, v17;
	v17 =	vsel vm15, $0x1, v4  }
0x19f: {  	v16 =	vadd.s32 v17, v16  }
0x1a0: {  	v17 =	vperm.xlane v16, v3;
	_ =	sdelay $0x1  }
0x1a1: {  	v16 =	vadd.s32 v16, v17  }
0x1a2: {  	v17 =	vperm.xlane v16, v0;
	_ =	sdelay $0x1  }
0x1a3: {  	v16 =	vadd.s32 v17, v16  }
0x1a4: {  	v17 =	vperm.xlane v16, v1;
	_ =	sdelay $0x1  }
0x1a5: {  	v16 =	vadd.s32 v17, v16  }
0x1a6: {  	v17 =	vperm.xlane v16, v2;
	_ =	sdelay $0x1  }
0x1a7: {  	v16 =	vadd.s32 v17, v16  }
0x1a8: {  	(v2sf) =	vpush v16, $0x0;
	_ =	sdelay $0xe  }
0x1a9: {  	s31 =	spop (v2sf)  }
0x1aa: {  	s19 =	sadd.s32 $0x1, s19;
	p0 =	sgt.s32 s31, $0xA2  }
0x1ab: {  	s16 =	smov.u32 @p0 s17;
	s17 =	smov.u32 @p0 s18;
	p0 =	sne.s32 s19, $0xF  }
.Ltmp10:
0x1ac: {  	_ = 	snop;
	(pc) =	sbr.rel @p0 .LBB2_20-.Ltmp10, $2  }
0x1ad: {  	_ =	sdelay $0x2  }
0x1ae: {  	s18 =	smov.u32 s17  }
0x1af: {  	s18 =	simm.s32 $0x0  }
0x1b0: {  	v26 =	vld [tilespmem:s18+$0x80F0]  }
0x1b1: {  	v24 =	vld [tilespmem:s18+$0x80E0]  }
0x1b2: {  	v23 =	vld [tilespmem:s18+$0x80D0]  }
0x1b3: {  	v16 =	vld [tilespmem:s18+$0x80C0]  }
0x1b4: {  	v17 =	vmov s16;
	v18 =	vmov s17;
	v19 =	vld [tilespmem:s18+$0x80B0]  }
0x1b5: {  	v17 =	vbroadcast v17, $0x0;
	v22 =	vld [tilespmem:s18+$0x80A0];
	v18 =	vbroadcast v18, $0x0  }
0x1b6: {  	v27 =	vimm.f32 $0.0e+00;
	v20 =	vimm.s32 $0x0;
	v28 =	vimm.f32 $0.0e+00;
	v25 =	vld [tilespmem:s18+$0x8090]  }
0x1b7: {  	v21 =	vimm.s32 $0x0;
	v29 =	vld [tilespmem:s18+$0x8080];
	vm3 =	vge.f32 v26, v17;
	vm6 =	vge.f32 v26, v18  }
0x1b8: {  	vm13 =	vge.f32 v23, v17;
	vm1 =	vge.f32 v24, v17;
	vm4 =	vge.f32 v24, v18  }
0x1b9: {  	vm7 =	vge.f32 v16, v17;
	vm8 =	vge.f32 v16, v18;
	vm0 =	vge.f32 v23, v18  }
0x1ba: {  	vm11 =	vge.f32 v22, v17;
	vm9 =	vge.f32 v19, v17;
	vm10 =	vge.f32 v19, v18  }
0x1bb: {  	s16 =	simm.s32 $0x400;
	vm12 =	vge.f32 v25, v17;
	vm15 =	vge.f32 v25, v18;
	vm14 =	vge.f32 v22, v18  }
.LBB2_24:
0x1bc: {  	p0 =	sne.s32 s16, $0xFC00;
	vm2 =	vge.f32 v29, v17;
	vm5 =	vge.f32 v29, v18;
	v30 =	vnsel vm6, $0x0, v26  }
0x1bd: {  	v31 =	vsel vm6, $0x1, v4;
	v32 =	vnsel vm3, $0x0, v26;
	v33 =	vsel vm3, $0x1, v4  }
0x1be: {  	v34 =	vsel vm0, $0x1, v4;
	v35 =	vsel vm4, $0x1, v4;
	v36 =	vsel vm1, $0x1, v4  }
0x1bf: {  	v37 =	vsel vm13, $0x1, v4;
	v38 =	vnsel vm4, $0x0, v24;
	v39 =	vnsel vm1, $0x0, v24  }
0x1c0: {  	v40 =	vsel vm10, $0x1, v4;
	v41 =	vsel vm8, $0x1, v4;
	v42 =	vsel vm7, $0x1, v4  }
0x1c1: {  	v43 =	vsel vm9, $0x1, v4;
	v44 =	vnsel vm0, $0x0, v23;
	v24 =	vnsel vm5, $0x0, v29  }
0x1c2: {  	v26 =	vnsel vm2, $0x0, v29;
	v24 =	vadd.f32 v24, v27;
	v27 =	vnsel vm13, $0x0, v23  }
0x1c3: {  	v23 =	vadd.f32 v26, v28;
	v26 =	vnsel vm15, $0x0, v25;
	v28 =	vsel vm14, $0x1, v4  }
0x1c4: {  	v29 =	vsel vm11, $0x1, v4;
	v25 =	vnsel vm12, $0x0, v25;
	v24 =	vadd.f32 v26, v24  }
0x1c5: {  	v45 =	vsel vm15, $0x1, v4;
	v23 =	vadd.f32 v25, v23;
	v25 =	vnsel vm14, $0x0, v22  }
0x1c6: {  	v46 =	vsel vm12, $0x1, v4;
	v22 =	vnsel vm11, $0x0, v22;
	v24 =	vadd.f32 v25, v24  }
0x1c7: {  	v22 =	vadd.f32 v22, v23;
	v23 =	vnsel vm10, $0x0, v19;
	v25 =	vnsel vm8, $0x0, v16  }
0x1c8: {  	v19 =	vnsel vm9, $0x0, v19;
	v16 =	vnsel vm7, $0x0, v16;
	v23 =	vadd.f32 v23, v24  }
0x1c9: {  	v26 =	vsel vm2, $0x1, v4;
	v24 =	vsel vm5, $0x1, v4;
	v19 =	vadd.f32 v19, v22  }
0x1ca: {  	s17 =	sshra.s32 s16, $0x2;
	v21 =	vadd.s32 v26, v21;
	v20 =	vadd.s32 v24, v20;
	v22 =	vadd.f32 v25, v23  }
0x1cb: {  	v21 =	vadd.s32 v46, v21;
	v20 =	vadd.s32 v45, v20;
	v16 =	vadd.f32 v16, v19;
	v26 =	vld [tilespmem:s17+$0x80F0]  }
0x1cc: {  	v19 =	vadd.s32 v28, v20;
	v20 =	vadd.s32 v29, v21;
	v21 =	vadd.f32 v44, v22;
	v24 =	vld [tilespmem:s17+$0x80E0]  }
0x1cd: {  	v19 =	vadd.s32 v40, v19;
	v20 =	vadd.s32 v43, v20;
	v22 =	vadd.f32 v27, v16;
	v23 =	vld [tilespmem:s17+$0x80D0]  }
0x1ce: {  	v25 =	vadd.s32 v41, v19;
	v20 =	vadd.s32 v42, v20;
	v21 =	vadd.f32 v38, v21;
	v16 =	vld [tilespmem:s17+$0x80C0]  }
0x1cf: {  	v25 =	vadd.s32 v34, v25;
	v20 =	vadd.s32 v37, v20;
	v28 =	vadd.f32 v39, v22;
	v19 =	vld [tilespmem:s17+$0x80B0]  }
0x1d0: {  	v29 =	vadd.s32 v35, v25;
	v34 =	vadd.s32 v36, v20;
	v27 =	vadd.f32 v30, v21;
	v22 =	vld [tilespmem:s17+$0x80A0]  }
0x1d1: {  	v20 =	vadd.s32 v31, v29;
	v28 =	vadd.f32 v32, v28;
	v21 =	vadd.s32 v33, v34;
	v25 =	vld [tilespmem:s17+$0x8090]  }
.Ltmp11:
0x1d2: {  	vm3 =	vge.f32 v26, v17;
	vm6 =	vge.f32 v26, v18;
	v29 =	vld [tilespmem:s17+$0x8080];
	(pc) =	sbr.rel @p0 .LBB2_24-.Ltmp11, $4  }
0x1d3: {  	vm1 =	vge.f32 v24, v17;
	vm4 =	vge.f32 v24, v18;
	vm13 =	vge.f32 v23, v17  }
0x1d4: {  	vm0 =	vge.f32 v23, v18;
	vm7 =	vge.f32 v16, v17;
	vm8 =	vge.f32 v16, v18  }
0x1d5: {  	vm9 =	vge.f32 v19, v17;
	vm10 =	vge.f32 v19, v18;
	vm11 =	vge.f32 v22, v17  }
0x1d6: {  	s16 =	sadd.s32 $0x400, s16;
	vm14 =	vge.f32 v22, v18;
	vm12 =	vge.f32 v25, v17;
	vm15 =	vge.f32 v25, v18  }
0x1d7: {  	v30 =	vnsel vm6, $0x0, v26  }
0x1d8: {  	v31 =	vsel vm6, $0x1, v4;
	v45 =	vnsel vm3, $0x0, v26;
	v32 =	vsel vm3, $0x1, v4  }
0x1d9: {  	v33 =	vsel vm4, $0x1, v4;
	v34 =	vnsel vm4, $0x0, v24;
	v35 =	vsel vm1, $0x1, v4  }
0x1da: {  	v46 =	vnsel vm1, $0x0, v24;
	v36 =	vsel vm0, $0x1, v4;
	v37 =	vnsel vm0, $0x0, v23  }
0x1db: {  	vm5 =	vge.f32 v29, v18;
	v47 =	vsel vm13, $0x1, v4;
	v48 =	vnsel vm13, $0x0, v23  }
0x1dc: {  	vm6 =	vge.f32 v29, v17;
	v38 =	vnsel vm15, $0x0, v25;
	v49 =	vnsel vm5, $0x0, v29  }
0x1dd: {  	v39 =	vsel vm15, $0x1, v4;
	v50 =	vnsel vm6, $0x0, v29;
	v17 =	vadd.f32 v49, v27  }
0x1de: {  	v51 =	vsel vm14, $0x1, v4;
	v40 =	vnsel vm14, $0x0, v22;
	v27 =	vadd.f32 v50, v28  }
0x1df: {  	v52 =	vnsel vm12, $0x0, v25;
	v53 =	vsel vm12, $0x1, v4;
	v17 =	vadd.f32 v38, v17  }
0x1e0: {  	v54 =	vsel vm11, $0x1, v4;
	v55 =	vnsel vm11, $0x0, v22;
	v25 =	vadd.f32 v52, v27  }
0x1e1: {  	v56 =	vsel vm10, $0x1, v4;
	v41 =	vnsel vm10, $0x0, v19;
	v17 =	vadd.f32 v40, v17  }
0x1e2: {  	v57 =	vsel vm8, $0x1, v4;
	v42 =	vnsel vm8, $0x0, v16;
	v22 =	vadd.f32 v55, v25  }
0x1e3: {  	v58 =	vsel vm9, $0x1, v4;
	v59 =	vnsel vm9, $0x0, v19;
	v17 =	vadd.f32 v41, v17  }
0x1e4: {  	v60 =	vsel vm7, $0x1, v4;
	v61 =	vnsel vm7, $0x0, v16;
	v19 =	vadd.f32 v59, v22  }
0x1e5: {  	v13 =	vadd.s32 v15, v13;
	v11 =	vadd.s32 v14, v11;
	v17 =	vadd.f32 v42, v17  }
0x1e6: {  	v10 =	vadd.f32 v12, v10;
	v62 =	vsel vm5, $0x1, v4;
	v16 =	vadd.f32 v61, v19  }
0x1e7: {  	v43 =	vsel vm6, $0x1, v4;
	v20 =	vadd.s32 v62, v20;
	v17 =	vadd.f32 v37, v17  }
0x1e8: {  	v21 =	vadd.s32 v43, v21;
	v63 =	vadd.s32 v39, v20;
	v16 =	vadd.f32 v48, v16  }
0x1e9: {  	v39 =	vadd.s32 v53, v21;
	v19 =	vadd.s32 v51, v63;
	v17 =	vadd.f32 v34, v17  }
0x1ea: {  	v20 =	vadd.s32 v54, v39;
	v19 =	vadd.s32 v56, v19;
	v16 =	vadd.f32 v46, v16  }
0x1eb: {  	v20 =	vadd.s32 v58, v20;
	v19 =	vadd.s32 v57, v19;
	v17 =	vadd.f32 v30, v17  }
0x1ec: {  	v20 =	vadd.s32 v60, v20;
	v19 =	vadd.s32 v36, v19;
	v16 =	vadd.f32 v45, v16  }
0x1ed: {  	v18 =	vadd.s32 v47, v20;
	v19 =	vadd.s32 v33, v19;
	v40 =	vperm.xlane v17, v3  }
0x1ee: {  	v18 =	vadd.s32 v35, v18;
	v19 =	vadd.s32 v31, v19;
	v41 =	vperm.xlane v16, v3  }
0x1ef: {  	v18 =	vadd.s32 v32, v18;
	v42 =	vperm.xlane v19, v3;
	v15 =	vadd.f32 v40, v17  }
0x1f0: {  	(v2sf) =	vpush v13, $0x0;
	v43 =	vperm.xlane v18, v3;
	v13 =	vadd.f32 v41, v16  }
0x1f1: {  	(v2sf) =	vpush v11, $0x0;
	v44 =	vadd.s32 v19, v42;
	v45 =	vperm.xlane v15, v5  }
0x1f2: {  	v11 =	vadd.s32 v18, v43;
	v46 =	vperm.xlane v44, v5;
	v47 =	vperm.xlane v13, v5  }
0x1f3: {  	v8 =	vadd.f32 v9, v8;
	v18 =	vperm.xlane v11, v5;
	v14 =	vadd.f32 v45, v15  }
0x1f4: {  	(v2sf) =	vpush v10, $0x0;
	v48 =	vadd.s32 v46, v44;
	v49 =	vadd.f32 v47, v13  }
0x1f5: {  	v11 =	vadd.s32 v18, v11;
	v50 =	vperm.xlane v48, v6;
	v15 =	vperm.xlane v14, v6  }
0x1f6: {  	(v2sf) =	vpush v8, $0x0;
	v8 =	vperm.xlane v11, v6;
	v51 =	vperm.xlane v49, v6  }
0x1f7: {  	v9 =	vadd.s32 v50, v48;
	v52 =	vadd.f32 v15, v14  }
0x1f8: {  	v8 =	vadd.s32 v8, v11;
	v53 =	vperm.xlane v9, v7;
	v54 =	vadd.f32 v51, v49  }
0x1f9: {  	v55 =	vperm.xlane v8, v7;
	v15 =	vperm.xlane v52, v7  }
0x1fa: {  	v9 =	vadd.s32 v53, v9;
	v56 =	vperm.xlane v54, v7  }
0x1fb: {  	v8 =	vadd.s32 v55, v8;
	(v2sf) =	vpush v9, $0x0;
	v57 =	vadd.f32 v15, v52  }
0x1fc: {  	(v2sf) =	vpush v8, $0x0;
	v8 =	vadd.f32 v56, v54  }
0x1fd: {  	(v2sf) =	vpush v57, $0x0  }
0x1fe: {  	(v2sf) =	vpush v8, $0x0;
	_ =	sdelay $0x3  }
0x1ff: {  	s16 =	spop (v2sf)  }
0x200: {  	s17 =	spop (v2sf);
	s18 =	ssub.s32 $0xA3, s16  }
0x201: {  	vm8 =	vmmov $0x1;
	s19 =	spop (v2sf);
	s18 =	scvt.s32.f32 s18  }
0x202: {  	s20 =	spop (v2sf);
	v8 =	vnsel vm8, $0x0, v10  }
0x203: {  	vm9 =	vcmask $0x704;
	s19 =	ssub.f32 s20, s19;
	v58 =	vmov s18;
	v8 =	vadd.f32 $0.0e+00, v8  }
0x204: {  	s16 =	ssub.s32 s17, s16;
	v10 =	vnsel vm9, $0x0, v58  }
0x205: {  	vm10 =	vcmask $0xB08;
	s16 =	scvt.s32.f32 s16;
	v59 =	vmov s19;
	v8 =	vadd.f32 v8, v10  }
0x206: {  	v10 =	vnsel vm10, $0x0, v59  }
0x207: {  	vm11 =	vcmask $0xF0C;
	v60 =	vmov s16;
	v8 =	vadd.f32 v10, v8;
	s26 =	spop (v2sf)  }
0x208: {  	v9 =	vbroadcast v57, $0x0;
	v10 =	vnsel vm11, $0x0, v60;
	s28 =	spop (v2sf);
	s29 =	ssub.s32 $0xA3, s26  }
0x209: {  	vm12 =	vcmask $0x1310;
	v8 =	vadd.f32 v8, v10;
	s18 =	scvt.s32.f32 s29;
	s30 =	spop (v2sf)  }
0x20a: {  	v9 =	vnsel vm12, $0x0, v9;
	s31 =	spop (v2sf)  }
0x20b: {  	vm13 =	vcmask $0x1714;
	v8 =	vadd.f32 v9, v8;
	v61 =	vmov s18;
	s19 =	ssub.f32 s31, s30  }
0x20c: {  	s16 =	ssub.s32 s28, s26;
	v9 =	vnsel vm13, $0x0, v61  }
0x20d: {  	vm14 =	vcmask $0x1B18;
	s16 =	scvt.s32.f32 s16;
	v8 =	vadd.f32 v8, v9;
	v62 =	vmov s19  }
0x20e: {  	v9 =	vnsel vm14, $0x0, v62  }
0x20f: {  	vm15 =	vcmask $0x1F1C;
	v63 =	vmov s16;
	v8 =	vadd.f32 v9, v8  }
0x210: {  	v9 =	vnsel vm15, $0x0, v63  }
0x211: {  	s15 =	sadd.s32 $0x1, s15;
	v8 =	vadd.f32 v8, v9  }
0x212: {  	p0 =	sne.s32 s15, s8  }
.Ltmp12:
0x213: {  	[tilespmem:$0xC000] =	vst v8;
	(pc) =	sbr.rel @p0 .LBB2_1-.Ltmp12, $4  }
0x214: {  	[hbm4b:s7+s2] =	stream.linear.scatter [tilespmem:s13], [sflag:$0x5], $0x80, $0x38;
	[tilespmem:$0xC080] =	vst v63  }
0x215: {  	_ =	swait.ge [sflag:s14], $0x80  }
0x216: {  	[sflag:s14] =	ssyncset.done $0x0  }
0x217: {  	[sflag:s14] =	ssyncadd.s32 $0xFFFFFF80  }
0x218: {  	_ =	sfence.sel $0x180000  }
0x219: {  	[bflag:$0x0] =	sbarrier.arrive $0xFFFF  }
0x21a: {  	p0 =	sne.s32 s0, $0x0;
	_ =	strace $0x90000047  }
0x21b: {  	s0 =	sadd.s32 @!p0 $0x100000, s1;
	[bflag:$0x2] =	sbarrier.arrive $0xFFFF  }
0x21c: {  	[sflag:s0] =	ssyncadd.tile.s32 @!p0 $0x1;
	_ =	shalt  }
.Lfunc_end2:
_tile_overlayer_lowered:
.L_overlay_start_2:
0x21d: {  	(tag) =	ssettag $0x2  }
0x21e: {  	s0 =	rddreg [dreg:$0x0];
	s2 =	stileid.u32  }
0x21f: {  	s1 =	rddreg [dreg:$0x1];
	p0 =	sne.s32 s2, $0x0  }
0x220: {  	s3 =	rddreg [dreg:$0x2];
	[bflag:$0x3] =	sbarrier.arrive $0xFFFF;
	s2 =	simm.s32 @!p0 $0x1C05  }
0x221: {  	[timem:s3], [sflag:s2] =	dma.local @!p0 [hbm:s0], s1  }
0x222: {  	s0 =	simm.s32 @!p0 $0x5  }
0x223: {  	_ =	swait.ge @!p0 [sflag:s0], s1  }
0x224: {  	s1 =	ssub.s32 @!p0 $0x0, s1;
	[sflag:s0] =	ssyncset.done @!p0 $0x0  }
0x225: {  	[sflag:s0] =	ssyncadd.s32 @!p0 s1  }
0x226: {  	[bflag:$0x3] =	sbarrier.arrive $0xFFFF  }
0x227: {  	_ =	shalt  }

</sc_bundles>
